<compile_context>
chip_gen: v7x
topology: tpu7x:2x2x1
jax: 0.10.2.dev20260603
libtpu: 0.0.44.dev20260713+nightly
codegen_flags: <defaults>
</compile_context>

<pallas_src>
import functools

import jax
import jax.numpy as jnp
from jax import lax
from jax.experimental import pallas as pl
from jax.experimental.pallas import tpu as pltpu
from jax.experimental.pallas import tpu_sc as plsc

_NC = 2
_NS = 16
_L = 16
_NW = _NC * _NS

_T = 6400


def _sc_type_codes(x, i, j):
    E = i.shape[0]
    V = x.shape[0]
    per_w = E // _NW
    mesh = plsc.VectorSubcoreMesh(core_axis_name="c", subcore_axis_name="s")

    @functools.partial(
        pl.kernel,
        out_type=jax.ShapeDtypeStruct((E,), jnp.int32),
        mesh=mesh,
        scratch_types=[
            pltpu.VMEM((V,), jnp.int32),
            pltpu.VMEM((per_w,), jnp.int32),
            pltpu.VMEM((per_w,), jnp.int32),
            pltpu.VMEM((per_w,), jnp.int32),
            pltpu.SemaphoreType.DMA,
            pltpu.SemaphoreType.DMA,
            pltpu.SemaphoreType.DMA,
        ],
        compiler_params=pltpu.CompilerParams(needs_layout_passes=False),
    )
    def k(x_hbm, i_hbm, j_hbm, code_hbm, x_v, ii_v, jj_v, out_v,
          sem_x, sem_i, sem_j):
        wid = lax.axis_index("s") * _NC + lax.axis_index("c")
        base = wid * per_w
        cx = pltpu.async_copy(x_hbm, x_v, sem_x)
        ci = pltpu.async_copy(i_hbm.at[pl.ds(base, per_w)], ii_v, sem_i)
        cj = pltpu.async_copy(j_hbm.at[pl.ds(base, per_w)], jj_v, sem_j)
        cx.wait()
        ci.wait()
        cj.wait()

        @plsc.parallel_loop(0, per_w // _L, step=1, unroll=8)
        def _gather(s):
            vi = plsc.load_gather(x_v, [ii_v[pl.ds(s * _L, _L)]])
            vj = plsc.load_gather(x_v, [jj_v[pl.ds(s * _L, _L)]])
            out_v[pl.ds(s * _L, _L)] = vi | ((vj + 128) << 16)

        pltpu.sync_copy(out_v, code_hbm.at[pl.ds(base, per_w)])

    return k(x, i, j)


def _silu(z):
    s = 0.5 * z
    return s + s * jnp.tanh(s)


def _tc_body(code_ref, pb_ref, emb_ref, Wp_ref, bp_ref, W1_ref, W2_ref,
             W3_ref, be_ref, out_ref, ABf_s, ABh_s):
    T, H = out_ref.shape
    Vp = emb_ref.shape[0]

    @pl.when(pl.program_id(0) == 0)
    def _():
        ABf_s[:Vp, :] = jnp.dot(emb_ref[...], W1_ref[...],
                                preferred_element_type=jnp.float32)
        ABf_s[Vp:, :] = jnp.dot(emb_ref[...], W2_ref[...],
                                preferred_element_type=jnp.float32)
        ABh_s[...] = ABf_s[...].astype(jnp.bfloat16)

    M = code_ref[0]
    tiv = (M & 0xFFFF).astype(jnp.bfloat16)
    tjv = (M >> 16).astype(jnp.bfloat16)
    kinds = lax.broadcasted_iota(jnp.int32, (2 * Vp, 128), 0
                                 ).astype(jnp.bfloat16)
    one = jnp.ones((), jnp.bfloat16)
    zero = jnp.zeros((), jnp.bfloat16)
    cols = []
    for q in range(T // 128):
        hit = (kinds == tiv[q:q + 1, :]) | (kinds == tjv[q:q + 1, :])
        cols.append(jnp.where(hit, one, zero))
    ohT = jnp.concatenate(cols, axis=1)
    tdim = (((0,), (0,)), ((), ()))
    gij = lax.dot_general(ohT, ABh_s[...], tdim,
                          preferred_element_type=jnp.float32)
    php = (lax.dot_general(Wp_ref[...], pb_ref[...], tdim,
                           preferred_element_type=jnp.float32)
           + bp_ref[...]).astype(jnp.bfloat16)
    phT = _silu(php)
    z = lax.dot_general(phT, W3_ref[...], tdim,
                        preferred_element_type=jnp.float32) + gij + be_ref[...]
    out_ref[...] = _silu(z)


def _code3(code, S, T, Rp):
    R = T // 128
    return jnp.pad(code.reshape(S, T), ((0, 0), (0, (Rp - R) * 128))
                   ).reshape(S, Rp, 128)


def _tc_fused(code, pbT, emb_pad, W_pair, b_pair, W1, W2, W3,
              b_emb):
    P, E = pbT.shape
    Vp, H = emb_pad.shape
    T = _T
    S = E // T
    R = T // 128
    Rp = -(-R // 8) * 8
    code3 = _code3(code, S, T, Rp)
    full = lambda shp: pl.BlockSpec(shp, lambda s: (0,) * len(shp))
    weight_specs = [
        full((Vp, H)),
        full((P, H)),
        full((H, 1)),
        full((H, H)),
        full((H, H)),
        full((H, H)),
        full((1, H)),
    ]
    scratches = [
        pltpu.VMEM((2 * Vp, H), jnp.float32),
        pltpu.VMEM((2 * Vp, H), jnp.bfloat16),
    ]
    params = pltpu.CompilerParams(dimension_semantics=("arbitrary",))
    weights = (emb_pad, W_pair, b_pair, W1, W2, W3, b_emb)
    return pl.pallas_call(
        _tc_body,
        grid=(S,),
        in_specs=[
            pl.BlockSpec((1, Rp, 128), lambda s: (s, 0, 0)),
            pl.BlockSpec((P, T), lambda s: (0, s)),
        ] + weight_specs,
        out_specs=pl.BlockSpec((T, H), lambda s: (s, 0)),
        out_shape=jax.ShapeDtypeStruct((E, H), jnp.float32),
        scratch_shapes=scratches,
        compiler_params=params,
    )(code3, pbT, *weights)


def kernel(x, pair_basis, i, j, emb_table, W_pair, b_pair, W_emb, b_emb):
    H = emb_table.shape[1]
    V = emb_table.shape[0]
    Vp = 128
    code = _sc_type_codes(x, i, j)
    emb_pad = jnp.pad(emb_table, ((0, Vp - V), (0, 0)))
    W1 = W_emb[:H]
    W2 = W_emb[H:2 * H]
    W3 = W_emb[2 * H:]
    return _tc_fused(code, pair_basis.T, emb_pad, W_pair,
                     b_pair.reshape(H, 1), W1, W2, W3, b_emb.reshape(1, H))

# --- scband reference (transcript-rebuilt; emitter-appended) ---
"""Pipeline reference for scband-embedding-block-18562848654096 (READ-ONLY COPY).

The authoritative reference and input builder live on the scoring server;
editing this copy changes nothing except your own understanding.
"""

import jax, jax.numpy as jnp
import numpy as np

N_NODES = 10000
N_EDGES = 320000
HIDDEN = 128
OUTPUT_DIM = 16
NUM_TYPES = 105


def setup_inputs(seed: int = 0) -> dict:
    key = jax.random.key(seed)
    ks = jax.random.split(key, 10)
    x = jax.random.randint(ks[0], (N_NODES,), 0, NUM_TYPES, dtype=jnp.int64 if jax.config.jax_enable_x64 else jnp.int32).astype(jnp.int32)
    pair_basis = jax.random.normal(ks[1], (N_EDGES, OUTPUT_DIM), dtype=jnp.float32)
    i = jax.random.randint(ks[2], (N_EDGES,), 0, N_NODES).astype(jnp.int32)
    j = jax.random.randint(ks[3], (N_EDGES,), 0, N_NODES).astype(jnp.int32)
    # learned parameters
    emb_table = jax.random.normal(ks[4], (NUM_TYPES, HIDDEN), dtype=jnp.float32)  # torch Embedding default N(0,1)
    lim_pair = 1.0 / np.sqrt(OUTPUT_DIM)
    W_pair = jax.random.uniform(ks[5], (OUTPUT_DIM, HIDDEN), minval=-lim_pair, maxval=lim_pair, dtype=jnp.float32)
    b_pair = jax.random.uniform(ks[6], (HIDDEN,), minval=-lim_pair, maxval=lim_pair, dtype=jnp.float32)
    lim_emb = 1.0 / np.sqrt(3 * HIDDEN)
    W_emb = jax.random.uniform(ks[7], (3 * HIDDEN, HIDDEN), minval=-lim_emb, maxval=lim_emb, dtype=jnp.float32)
    b_emb = jax.random.uniform(ks[8], (HIDDEN,), minval=-lim_emb, maxval=lim_emb, dtype=jnp.float32)
    return {"x": x, "pair_basis": pair_basis, "i": i, "j": j,
            "emb_table": emb_table, "W_pair": W_pair, "b_pair": b_pair,
            "W_emb": W_emb, "b_emb": b_emb}


def reference(x, pair_basis, i, j, emb_table, W_pair, b_pair, W_emb, b_emb):
    # x = self.emb(x)
    h = jnp.take(emb_table, x, axis=0)                      # [N, H] embedding lookup
    # pair_basis = self.pair_network(pair_basis)  (Linear + SiLU)
    pb = jax.nn.silu(pair_basis @ W_pair + b_pair)          # [E, H]
    # inp = cat([x[i], x[j], pair_basis], dim=-1)
    inp = jnp.concatenate([jnp.take(h, i, axis=0), jnp.take(h, j, axis=0), pb], axis=-1)  # [E, 3H]
    # emb = self.embedding_network(inp)  (Linear + SiLU)
    emb = jax.nn.silu(inp @ W_emb + b_emb)                  # [E, H]
    return emb

if __name__ == "__main__":
    import jax
    _d = setup_inputs()
    print(jax.jit(kernel)(*tuple(_d.values())))

</pallas_src>

<mosaic_0001>
#map = affine_map<(d0, d1) -> (0)>
module attributes {stable_mosaic.version = 14 : i64} {
  func.func @k(%arg0: i32, %arg1: i32, %arg2: memref<10000xi32, #tpu.memory_space<hbm>>, %arg3: memref<320000xi32, #tpu.memory_space<hbm>>, %arg4: memref<320000xi32, #tpu.memory_space<hbm>>, %arg5: memref<320000xi32, #tpu.memory_space<hbm>>, %arg6: memref<10000xi32, #tpu.memory_space<vmem>>, %arg7: memref<10000xi32, #tpu.memory_space<vmem>>, %arg8: memref<10000xi32, #tpu.memory_space<vmem>>, %arg9: memref<10000xi32, #tpu.memory_space<vmem>>, %arg10: memref<!tpu.dma_semaphore, #tpu.memory_space<semaphore_mem>>, %arg11: memref<!tpu.dma_semaphore, #tpu.memory_space<semaphore_mem>>, %arg12: memref<!tpu.dma_semaphore, #tpu.memory_space<semaphore_mem>>) attributes {dimension_semantics = [#tpu.dimension_semantics<core_parallel>, #tpu.dimension_semantics<subcore_parallel>], iteration_bounds = array<i64: 2, 16>, scalar_prefetch = 0 : i64, scratch_operands = 7 : i64, tpu.core_type = #tpu.core_type<sc_vector_subcore>, window_params = [{transform_indices = #map}, {transform_indices = #map}, {transform_indices = #map}, {transform_indices = #map}]} {
    %mul3A = arith.constant 2 : i32
    %mul3A_0 = arith.muli %arg1, %mul3A : i32
    %add3A = arith.addi %mul3A_0, %arg0 : i32
    %mul3A_1 = arith.constant 10000 : i32
    %mul3A_2 = arith.muli %add3A, %mul3A_1 : i32
    tpu.enqueue_dma source(%arg2 : memref<10000xi32, #tpu.memory_space<hbm>>) target(%arg6 : memref<10000xi32, #tpu.memory_space<vmem>>) target_semaphore(%arg10 : memref<!tpu.dma_semaphore, #tpu.memory_space<semaphore_mem>>)
    %dma_start3A = tpu.memref_slice %arg3[%mul3A_2] : memref<320000xi32, #tpu.memory_space<hbm>> -> memref<10000xi32, #tpu.memory_space<hbm>>
    %dma_start3A_3 = tpu.memref_slice %arg3[%mul3A_2] : memref<320000xi32, #tpu.memory_space<hbm>> -> memref<10000xi32, #tpu.memory_space<hbm>>
    tpu.enqueue_dma source(%dma_start3A_3 : memref<10000xi32, #tpu.memory_space<hbm>>) target(%arg7 : memref<10000xi32, #tpu.memory_space<vmem>>) target_semaphore(%arg11 : memref<!tpu.dma_semaphore, #tpu.memory_space<semaphore_mem>>)
    %dma_start3A_4 = tpu.memref_slice %arg4[%mul3A_2] : memref<320000xi32, #tpu.memory_space<hbm>> -> memref<10000xi32, #tpu.memory_space<hbm>>
    %dma_start3A_5 = tpu.memref_slice %arg4[%mul3A_2] : memref<320000xi32, #tpu.memory_space<hbm>> -> memref<10000xi32, #tpu.memory_space<hbm>>
    tpu.enqueue_dma source(%dma_start3A_5 : memref<10000xi32, #tpu.memory_space<hbm>>) target(%arg8 : memref<10000xi32, #tpu.memory_space<vmem>>) target_semaphore(%arg12 : memref<!tpu.dma_semaphore, #tpu.memory_space<semaphore_mem>>)
    tpu.wait_dma2 semaphore(%arg10 : memref<!tpu.dma_semaphore, #tpu.memory_space<semaphore_mem>>) src(%arg2 : memref<10000xi32, #tpu.memory_space<hbm>>) dst(%arg6 : memref<10000xi32, #tpu.memory_space<vmem>>)
    %dma_wait3A = tpu.memref_slice %arg3[%mul3A_2] : memref<320000xi32, #tpu.memory_space<hbm>> -> memref<10000xi32, #tpu.memory_space<hbm>>
    %dma_wait3A_6 = tpu.memref_slice %arg3[%mul3A_2] : memref<320000xi32, #tpu.memory_space<hbm>> -> memref<10000xi32, #tpu.memory_space<hbm>>
    tpu.wait_dma2 semaphore(%arg11 : memref<!tpu.dma_semaphore, #tpu.memory_space<semaphore_mem>>) src(%dma_wait3A_6 : memref<10000xi32, #tpu.memory_space<hbm>>) dst(%arg7 : memref<10000xi32, #tpu.memory_space<vmem>>)
    %dma_wait3A_7 = tpu.memref_slice %arg4[%mul3A_2] : memref<320000xi32, #tpu.memory_space<hbm>> -> memref<10000xi32, #tpu.memory_space<hbm>>
    %dma_wait3A_8 = tpu.memref_slice %arg4[%mul3A_2] : memref<320000xi32, #tpu.memory_space<hbm>> -> memref<10000xi32, #tpu.memory_space<hbm>>
    tpu.wait_dma2 semaphore(%arg12 : memref<!tpu.dma_semaphore, #tpu.memory_space<semaphore_mem>>) src(%dma_wait3A_8 : memref<10000xi32, #tpu.memory_space<hbm>>) dst(%arg8 : memref<10000xi32, #tpu.memory_space<vmem>>)
    %parallel_loop3A = arith.constant 0 : i32
    %parallel_loop3A_9 = arith.constant 625 : i32
    %parallel_loop3A_10 = arith.constant 1 : i32
    scf.for %parallel_loop3A_11 = %parallel_loop3A to %parallel_loop3A_9 step %parallel_loop3A_10  : i32 {
      %parallel_loop3A_12 = arith.constant 16 : i32
      %parallel_loop3A_13 = arith.muli %parallel_loop3A_11, %parallel_loop3A_12 : i32
      %parallel_loop3A_14 = arith.index_cast %parallel_loop3A_13 : i32 to index
      %parallel_loop3A_15 = tpu.vector_load %arg7[%parallel_loop3A_14] {strides = array<i32>} : memref<10000xi32, #tpu.memory_space<vmem>>, vector<16xi32>,
      %parallel_loop3A_16 = tpu.vector_load_idx %arg6[%parallel_loop3A_15] : memref<10000xi32, #tpu.memory_space<vmem>>[vector<16xi32>], vector<16xi32>,
      %parallel_loop3A_17 = arith.constant 16 : i32
      %parallel_loop3A_18 = arith.muli %parallel_loop3A_11, %parallel_loop3A_17 : i32
      %parallel_loop3A_19 = arith.index_cast %parallel_loop3A_18 : i32 to index
      %parallel_loop3A_20 = tpu.vector_load %arg8[%parallel_loop3A_19] {strides = array<i32>} : memref<10000xi32, #tpu.memory_space<vmem>>, vector<16xi32>,
      %parallel_loop3A_21 = tpu.vector_load_idx %arg6[%parallel_loop3A_20] : memref<10000xi32, #tpu.memory_space<vmem>>[vector<16xi32>], vector<16xi32>,
      %parallel_loop3A_22 = arith.constant 128 : i32
      %parallel_loop3A_23 = vector.broadcast %parallel_loop3A_22 : i32 to vector<16xi32>
      %parallel_loop3A_24 = arith.addi %parallel_loop3A_21, %parallel_loop3A_23 : vector<16xi32>
      %parallel_loop3A_25 = arith.constant 16 : i32
      %parallel_loop3A_26 = vector.broadcast %parallel_loop3A_25 : i32 to vector<16xi32>
      %parallel_loop3A_27 = arith.shli %parallel_loop3A_24, %parallel_loop3A_26 : vector<16xi32>
      %parallel_loop3A_28 = arith.ori %parallel_loop3A_16, %parallel_loop3A_27 : vector<16xi32>
      %parallel_loop3A_29 = arith.constant 16 : i32
      %parallel_loop3A_30 = arith.muli %parallel_loop3A_11, %parallel_loop3A_29 : i32
      %parallel_loop3A_31 = arith.index_cast %parallel_loop3A_30 : i32 to index
      %parallel_loop3A_32 = tpu.vector_load %arg9[%parallel_loop3A_31] {strides = array<i32>} : memref<10000xi32, #tpu.memory_space<vmem>>, vector<16xi32>,
      tpu.vector_store %arg9[%parallel_loop3A_31], %parallel_loop3A_28 {strides = array<i32>} : memref<10000xi32, #tpu.memory_space<vmem>>, vector<16xi32>,
    } {sc.loop_unroll_factor = 8 : i64, sc.parallel_access}
    "tpu.region"() ({
      %run_scoped3A = tpu.sem_alloc : memref<!tpu.dma_semaphore, #tpu.memory_space<semaphore_mem>>
      %dma_start3A_11 = tpu.memref_slice %arg5[%mul3A_2] : memref<320000xi32, #tpu.memory_space<hbm>> -> memref<10000xi32, #tpu.memory_space<hbm>>
      %dma_start3A_12 = tpu.memref_slice %arg5[%mul3A_2] : memref<320000xi32, #tpu.memory_space<hbm>> -> memref<10000xi32, #tpu.memory_space<hbm>>
      tpu.enqueue_dma source(%arg9 : memref<10000xi32, #tpu.memory_space<vmem>>) target(%dma_start3A_12 : memref<10000xi32, #tpu.memory_space<hbm>>) target_semaphore(%run_scoped3A : memref<!tpu.dma_semaphore, #tpu.memory_space<semaphore_mem>>)
      %dma_wait3A_13 = tpu.memref_slice %arg5[%mul3A_2] : memref<320000xi32, #tpu.memory_space<hbm>> -> memref<10000xi32, #tpu.memory_space<hbm>>
      %dma_wait3A_14 = tpu.memref_slice %arg5[%mul3A_2] : memref<320000xi32, #tpu.memory_space<hbm>> -> memref<10000xi32, #tpu.memory_space<hbm>>
      tpu.wait_dma2 semaphore(%run_scoped3A : memref<!tpu.dma_semaphore, #tpu.memory_space<semaphore_mem>>) src(%arg9 : memref<10000xi32, #tpu.memory_space<vmem>>) dst(%dma_wait3A_14 : memref<10000xi32, #tpu.memory_space<hbm>>)
      tpu.yield
    }) : () -> ()
    return
  }
}

module attributes {stable_mosaic.version = 14 : i64} {
  func.func @_tc_body(%arg0: i32, %arg1: memref<1x56x128xi32, #tpu.memory_space<vmem>>, %arg2: memref<16x6400xf32, #tpu.memory_space<vmem>>, %arg3: memref<128x128xf32, #tpu.memory_space<vmem>>, %arg4: memref<16x128xf32, #tpu.memory_space<vmem>>, %arg5: memref<128x1xf32, #tpu.memory_space<vmem>>, %arg6: memref<128x128xf32, #tpu.memory_space<vmem>>, %arg7: memref<128x128xf32, #tpu.memory_space<vmem>>, %arg8: memref<128x128xf32, #tpu.memory_space<vmem>>, %arg9: memref<1x128xf32, #tpu.memory_space<vmem>>, %arg10: memref<6400x128xf32, #tpu.memory_space<vmem>>, %arg11: memref<256x128xf32, #tpu.memory_space<vmem>>, %arg12: memref<256x128xbf16, #tpu.memory_space<vmem>>) attributes {dimension_semantics = [#tpu.dimension_semantics<arbitrary>], iteration_bounds = array<i64: 50>, scalar_prefetch = 0 : i64, scratch_operands = 2 : i64, tpu.core_type = #tpu.core_type<tc>, window_params = [{transform_indices = @transform_0, window_bounds = array<i64: 1, 56, 128>}, {transform_indices = @transform_1, window_bounds = array<i64: 16, 6400>}, {pipeline_mode = #tpu.pipeline_mode<synchronous>, transform_indices = @transform_2, window_bounds = array<i64: 128, 128>}, {pipeline_mode = #tpu.pipeline_mode<synchronous>, transform_indices = @transform_3, window_bounds = array<i64: 16, 128>}, {pipeline_mode = #tpu.pipeline_mode<synchronous>, transform_indices = @transform_4, window_bounds = array<i64: 128, 1>}, {pipeline_mode = #tpu.pipeline_mode<synchronous>, transform_indices = @transform_5, window_bounds = array<i64: 128, 128>}, {pipeline_mode = #tpu.pipeline_mode<synchronous>, transform_indices = @transform_6, window_bounds = array<i64: 128, 128>}, {pipeline_mode = #tpu.pipeline_mode<synchronous>, transform_indices = @transform_7, window_bounds = array<i64: 128, 128>}, {pipeline_mode = #tpu.pipeline_mode<synchronous>, transform_indices = @transform_8, window_bounds = array<i64: 1, 128>}, {transform_indices = @transform_9, window_bounds = array<i64: 6400, 128>}]} {
    %eq3A = arith.constant 0 : i32
    %eq3A_0 = arith.cmpi eq, %arg0, %eq3A : i32
    %convert_element_type3A = arith.extui %eq3A_0 : i1 to i32
    %cond3A = arith.constant 0 : i32
    %cond3A_1 = arith.cmpi ne, %convert_element_type3A, %cond3A : i32
    scf.if %cond3A_1 {
      %get3A_648 = arith.constant 0 : index
      %get3A_649 = arith.constant 0 : index
      %get3A_650 = vector.load %arg3[%get3A_648, %get3A_649] : memref<128x128xf32, #tpu.memory_space<vmem>>, vector<128x128xf32>
      %get3A_651 = arith.constant 0 : index
      %get3A_652 = arith.constant 0 : index
      %get3A_653 = vector.load %arg6[%get3A_651, %get3A_652] : memref<128x128xf32, #tpu.memory_space<vmem>>, vector<128x128xf32>
      %dot_general3A_654 = arith.constant dense<0.000000e+00> : vector<128x128xf32>
      %dot_general3A_655 = tpu.matmul %get3A_650, %get3A_653, %dot_general3A_654 {dimension_numbers = #tpu.dot_dimension_numbers<[1], [0], [0], [1], [0, 0, 1, 1], [], []>, transpose_lhs_hint = false} : vector<128x128xf32>, vector<128x128xf32>, vector<128x128xf32> -> vector<128x128xf32>
      %swap3A_656 = arith.constant 0 : index
      %swap3A_657 = arith.constant 0 : index
      %swap3A_658 = vector.load %arg11[%swap3A_656, %swap3A_657] : memref<256x128xf32, #tpu.memory_space<vmem>>, vector<128x128xf32>
      tpu.vector_store %arg11[%swap3A_656, %swap3A_657], %dot_general3A_655 {strides = array<i32>} : memref<256x128xf32, #tpu.memory_space<vmem>>, vector<128x128xf32>,
      %get3A_659 = arith.constant 0 : index
      %get3A_660 = arith.constant 0 : index
      %get3A_661 = vector.load %arg3[%get3A_659, %get3A_660] : memref<128x128xf32, #tpu.memory_space<vmem>>, vector<128x128xf32>
      %get3A_662 = arith.constant 0 : index
      %get3A_663 = arith.constant 0 : index
      %get3A_664 = vector.load %arg7[%get3A_662, %get3A_663] : memref<128x128xf32, #tpu.memory_space<vmem>>, vector<128x128xf32>
      %dot_general3A_665 = arith.constant dense<0.000000e+00> : vector<128x128xf32>
      %dot_general3A_666 = tpu.matmul %get3A_661, %get3A_664, %dot_general3A_665 {dimension_numbers = #tpu.dot_dimension_numbers<[1], [0], [0], [1], [0, 0, 1, 1], [], []>, transpose_lhs_hint = false} : vector<128x128xf32>, vector<128x128xf32>, vector<128x128xf32> -> vector<128x128xf32>
      %swap3A_667 = arith.constant 128 : index
      %swap3A_668 = arith.constant 0 : index
      %swap3A_669 = vector.load %arg11[%swap3A_667, %swap3A_668] : memref<256x128xf32, #tpu.memory_space<vmem>>, vector<128x128xf32>
      tpu.vector_store %arg11[%swap3A_667, %swap3A_668], %dot_general3A_666 {strides = array<i32>} : memref<256x128xf32, #tpu.memory_space<vmem>>, vector<128x128xf32>,
      %get3A_670 = arith.constant 0 : index
      %get3A_671 = arith.constant 0 : index
      %get3A_672 = vector.load %arg11[%get3A_670, %get3A_671] : memref<256x128xf32, #tpu.memory_space<vmem>>, vector<256x128xf32>
      %convert_element_type3A_673 = arith.truncf %get3A_672 : vector<256x128xf32> to vector<256x128xbf16>
      %swap3A_674 = arith.constant 0 : index
      %swap3A_675 = arith.constant 0 : index
      %swap3A_676 = vector.load %arg12[%swap3A_674, %swap3A_675] : memref<256x128xbf16, #tpu.memory_space<vmem>>, vector<256x128xbf16>
      tpu.vector_store %arg12[%swap3A_674, %swap3A_675], %convert_element_type3A_673 {strides = array<i32>} : memref<256x128xbf16, #tpu.memory_space<vmem>>, vector<256x128xbf16>,
    } else {
    }
    %get3A = arith.constant 0 : index
    %get3A_2 = arith.constant 0 : index
    %get3A_3 = arith.constant 0 : index
    %get3A_4 = vector.load %arg1[%get3A, %get3A_2, %get3A_3] : memref<1x56x128xi32, #tpu.memory_space<vmem>>, vector<1x56x128xi32>
    %get3A_5 = vector.shape_cast %get3A_4 : vector<1x56x128xi32> to vector<56x128xi32>
    %and3A = arith.constant 65535 : i32
    %and3A_6 = vector.broadcast %and3A : i32 to vector<56x128xi32>
    %and3A_7 = arith.andi %get3A_5, %and3A_6 : vector<56x128xi32>
    %convert_element_type3A_8 = arith.sitofp %and3A_7 : vector<56x128xi32> to vector<56x128xbf16>
    %shift_right_arithmetic3A = arith.constant 16 : i32
    %shift_right_arithmetic3A_9 = vector.broadcast %shift_right_arithmetic3A : i32 to vector<56x128xi32>
    %shift_right_arithmetic3A_10 = arith.shrsi %get3A_5, %shift_right_arithmetic3A_9 : vector<56x128xi32>
    %convert_element_type3A_11 = arith.sitofp %shift_right_arithmetic3A_10 : vector<56x128xi32> to vector<56x128xbf16>
    %iota3A = tpu.iota {dimensions = array<i32: 0>} : vector<256x128xi32>
    %convert_element_type3A_12 = arith.sitofp %iota3A : vector<256x128xi32> to vector<256x128xbf16>
    %slice3A = vector.extract_strided_slice %convert_element_type3A_8 {offsets = [0, 0], sizes = [1, 128], strides = [1, 1]} : vector<56x128xbf16> to vector<1x128xbf16>
    %eq3A_13 = vector.broadcast %slice3A : vector<1x128xbf16> to vector<256x128xbf16>
    %eq3A_14 = arith.cmpf oeq, %convert_element_type3A_12, %eq3A_13 : vector<256x128xbf16>
    %slice3A_15 = vector.extract_strided_slice %convert_element_type3A_11 {offsets = [0, 0], sizes = [1, 128], strides = [1, 1]} : vector<56x128xbf16> to vector<1x128xbf16>
    %eq3A_16 = vector.broadcast %slice3A_15 : vector<1x128xbf16> to vector<256x128xbf16>
    %eq3A_17 = arith.cmpf oeq, %convert_element_type3A_12, %eq3A_16 : vector<256x128xbf16>
    %or3A = arith.ori %eq3A_14, %eq3A_17 : vector<256x128xi1>
    %jit3A = arith.constant 1.000000e+00 : bf16
    %jit3A_18 = arith.constant 0.000000e+00 : bf16
    %broadcast_in_dim3A = vector.broadcast %jit3A : bf16 to vector<256x128xbf16>
    %broadcast_in_dim3A_19 = vector.broadcast %jit3A_18 : bf16 to vector<256x128xbf16>
    %select_n3A = arith.select %or3A, %broadcast_in_dim3A, %broadcast_in_dim3A_19 : vector<256x128xi1>, vector<256x128xbf16>
    %slice3A_20 = vector.extract_strided_slice %convert_element_type3A_8 {offsets = [1, 0], sizes = [1, 128], strides = [1, 1]} : vector<56x128xbf16> to vector<1x128xbf16>
    %eq3A_21 = vector.broadcast %slice3A_20 : vector<1x128xbf16> to vector<256x128xbf16>
    %eq3A_22 = arith.cmpf oeq, %convert_element_type3A_12, %eq3A_21 : vector<256x128xbf16>
    %slice3A_23 = vector.extract_strided_slice %convert_element_type3A_11 {offsets = [1, 0], sizes = [1, 128], strides = [1, 1]} : vector<56x128xbf16> to vector<1x128xbf16>
    %eq3A_24 = vector.broadcast %slice3A_23 : vector<1x128xbf16> to vector<256x128xbf16>
    %eq3A_25 = arith.cmpf oeq, %convert_element_type3A_12, %eq3A_24 : vector<256x128xbf16>
    %or3A_26 = arith.ori %eq3A_22, %eq3A_25 : vector<256x128xi1>
    %jit3A_27 = arith.constant 1.000000e+00 : bf16
    %jit3A_28 = arith.constant 0.000000e+00 : bf16
    %broadcast_in_dim3A_29 = vector.broadcast %jit3A_27 : bf16 to vector<256x128xbf16>
    %broadcast_in_dim3A_30 = vector.broadcast %jit3A_28 : bf16 to vector<256x128xbf16>
    %select_n3A_31 = arith.select %or3A_26, %broadcast_in_dim3A_29, %broadcast_in_dim3A_30 : vector<256x128xi1>, vector<256x128xbf16>
    %slice3A_32 = vector.extract_strided_slice %convert_element_type3A_8 {offsets = [2, 0], sizes = [1, 128], strides = [1, 1]} : vector<56x128xbf16> to vector<1x128xbf16>
    %eq3A_33 = vector.broadcast %slice3A_32 : vector<1x128xbf16> to vector<256x128xbf16>
    %eq3A_34 = arith.cmpf oeq, %convert_element_type3A_12, %eq3A_33 : vector<256x128xbf16>
    %slice3A_35 = vector.extract_strided_slice %convert_element_type3A_11 {offsets = [2, 0], sizes = [1, 128], strides = [1, 1]} : vector<56x128xbf16> to vector<1x128xbf16>
    %eq3A_36 = vector.broadcast %slice3A_35 : vector<1x128xbf16> to vector<256x128xbf16>
    %eq3A_37 = arith.cmpf oeq, %convert_element_type3A_12, %eq3A_36 : vector<256x128xbf16>
    %or3A_38 = arith.ori %eq3A_34, %eq3A_37 : vector<256x128xi1>
    %jit3A_39 = arith.constant 1.000000e+00 : bf16
    %jit3A_40 = arith.constant 0.000000e+00 : bf16
    %broadcast_in_dim3A_41 = vector.broadcast %jit3A_39 : bf16 to vector<256x128xbf16>
    %broadcast_in_dim3A_42 = vector.broadcast %jit3A_40 : bf16 to vector<256x128xbf16>
    %select_n3A_43 = arith.select %or3A_38, %broadcast_in_dim3A_41, %broadcast_in_dim3A_42 : vector<256x128xi1>, vector<256x128xbf16>
    %slice3A_44 = vector.extract_strided_slice %convert_element_type3A_8 {offsets = [3, 0], sizes = [1, 128], strides = [1, 1]} : vector<56x128xbf16> to vector<1x128xbf16>
    %eq3A_45 = vector.broadcast %slice3A_44 : vector<1x128xbf16> to vector<256x128xbf16>
    %eq3A_46 = arith.cmpf oeq, %convert_element_type3A_12, %eq3A_45 : vector<256x128xbf16>
    %slice3A_47 = vector.extract_strided_slice %convert_element_type3A_11 {offsets = [3, 0], sizes = [1, 128], strides = [1, 1]} : vector<56x128xbf16> to vector<1x128xbf16>
    %eq3A_48 = vector.broadcast %slice3A_47 : vector<1x128xbf16> to vector<256x128xbf16>
    %eq3A_49 = arith.cmpf oeq, %convert_element_type3A_12, %eq3A_48 : vector<256x128xbf16>
    %or3A_50 = arith.ori %eq3A_46, %eq3A_49 : vector<256x128xi1>
    %jit3A_51 = arith.constant 1.000000e+00 : bf16
    %jit3A_52 = arith.constant 0.000000e+00 : bf16
    %broadcast_in_dim3A_53 = vector.broadcast %jit3A_51 : bf16 to vector<256x128xbf16>
    %broadcast_in_dim3A_54 = vector.broadcast %jit3A_52 : bf16 to vector<256x128xbf16>
    %select_n3A_55 = arith.select %or3A_50, %broadcast_in_dim3A_53, %broadcast_in_dim3A_54 : vector<256x128xi1>, vector<256x128xbf16>
    %slice3A_56 = vector.extract_strided_slice %convert_element_type3A_8 {offsets = [4, 0], sizes = [1, 128], strides = [1, 1]} : vector<56x128xbf16> to vector<1x128xbf16>
    %eq3A_57 = vector.broadcast %slice3A_56 : vector<1x128xbf16> to vector<256x128xbf16>
    %eq3A_58 = arith.cmpf oeq, %convert_element_type3A_12, %eq3A_57 : vector<256x128xbf16>
    %slice3A_59 = vector.extract_strided_slice %convert_element_type3A_11 {offsets = [4, 0], sizes = [1, 128], strides = [1, 1]} : vector<56x128xbf16> to vector<1x128xbf16>
    %eq3A_60 = vector.broadcast %slice3A_59 : vector<1x128xbf16> to vector<256x128xbf16>
    %eq3A_61 = arith.cmpf oeq, %convert_element_type3A_12, %eq3A_60 : vector<256x128xbf16>
    %or3A_62 = arith.ori %eq3A_58, %eq3A_61 : vector<256x128xi1>
    %jit3A_63 = arith.constant 1.000000e+00 : bf16
    %jit3A_64 = arith.constant 0.000000e+00 : bf16
    %broadcast_in_dim3A_65 = vector.broadcast %jit3A_63 : bf16 to vector<256x128xbf16>
    %broadcast_in_dim3A_66 = vector.broadcast %jit3A_64 : bf16 to vector<256x128xbf16>
    %select_n3A_67 = arith.select %or3A_62, %broadcast_in_dim3A_65, %broadcast_in_dim3A_66 : vector<256x128xi1>, vector<256x128xbf16>
    %slice3A_68 = vector.extract_strided_slice %convert_element_type3A_8 {offsets = [5, 0], sizes = [1, 128], strides = [1, 1]} : vector<56x128xbf16> to vector<1x128xbf16>
    %eq3A_69 = vector.broadcast %slice3A_68 : vector<1x128xbf16> to vector<256x128xbf16>
    %eq3A_70 = arith.cmpf oeq, %convert_element_type3A_12, %eq3A_69 : vector<256x128xbf16>
    %slice3A_71 = vector.extract_strided_slice %convert_element_type3A_11 {offsets = [5, 0], sizes = [1, 128], strides = [1, 1]} : vector<56x128xbf16> to vector<1x128xbf16>
    %eq3A_72 = vector.broadcast %slice3A_71 : vector<1x128xbf16> to vector<256x128xbf16>
    %eq3A_73 = arith.cmpf oeq, %convert_element_type3A_12, %eq3A_72 : vector<256x128xbf16>
    %or3A_74 = arith.ori %eq3A_70, %eq3A_73 : vector<256x128xi1>
    %jit3A_75 = arith.constant 1.000000e+00 : bf16
    %jit3A_76 = arith.constant 0.000000e+00 : bf16
    %broadcast_in_dim3A_77 = vector.broadcast %jit3A_75 : bf16 to vector<256x128xbf16>
    %broadcast_in_dim3A_78 = vector.broadcast %jit3A_76 : bf16 to vector<256x128xbf16>
    %select_n3A_79 = arith.select %or3A_74, %broadcast_in_dim3A_77, %broadcast_in_dim3A_78 : vector<256x128xi1>, vector<256x128xbf16>
    %slice3A_80 = vector.extract_strided_slice %convert_element_type3A_8 {offsets = [6, 0], sizes = [1, 128], strides = [1, 1]} : vector<56x128xbf16> to vector<1x128xbf16>
    %eq3A_81 = vector.broadcast %slice3A_80 : vector<1x128xbf16> to vector<256x128xbf16>
    %eq3A_82 = arith.cmpf oeq, %convert_element_type3A_12, %eq3A_81 : vector<256x128xbf16>
    %slice3A_83 = vector.extract_strided_slice %convert_element_type3A_11 {offsets = [6, 0], sizes = [1, 128], strides = [1, 1]} : vector<56x128xbf16> to vector<1x128xbf16>
    %eq3A_84 = vector.broadcast %slice3A_83 : vector<1x128xbf16> to vector<256x128xbf16>
    %eq3A_85 = arith.cmpf oeq, %convert_element_type3A_12, %eq3A_84 : vector<256x128xbf16>
    %or3A_86 = arith.ori %eq3A_82, %eq3A_85 : vector<256x128xi1>
    %jit3A_87 = arith.constant 1.000000e+00 : bf16
    %jit3A_88 = arith.constant 0.000000e+00 : bf16
    %broadcast_in_dim3A_89 = vector.broadcast %jit3A_87 : bf16 to vector<256x128xbf16>
    %broadcast_in_dim3A_90 = vector.broadcast %jit3A_88 : bf16 to vector<256x128xbf16>
    %select_n3A_91 = arith.select %or3A_86, %broadcast_in_dim3A_89, %broadcast_in_dim3A_90 : vector<256x128xi1>, vector<256x128xbf16>
    %slice3A_92 = vector.extract_strided_slice %convert_element_type3A_8 {offsets = [7, 0], sizes = [1, 128], strides = [1, 1]} : vector<56x128xbf16> to vector<1x128xbf16>
    %eq3A_93 = vector.broadcast %slice3A_92 : vector<1x128xbf16> to vector<256x128xbf16>
    %eq3A_94 = arith.cmpf oeq, %convert_element_type3A_12, %eq3A_93 : vector<256x128xbf16>
    %slice3A_95 = vector.extract_strided_slice %convert_element_type3A_11 {offsets = [7, 0], sizes = [1, 128], strides = [1, 1]} : vector<56x128xbf16> to vector<1x128xbf16>
    %eq3A_96 = vector.broadcast %slice3A_95 : vector<1x128xbf16> to vector<256x128xbf16>
    %eq3A_97 = arith.cmpf oeq, %convert_element_type3A_12, %eq3A_96 : vector<256x128xbf16>
    %or3A_98 = arith.ori %eq3A_94, %eq3A_97 : vector<256x128xi1>
    %jit3A_99 = arith.constant 1.000000e+00 : bf16
    %jit3A_100 = arith.constant 0.000000e+00 : bf16
    %broadcast_in_dim3A_101 = vector.broadcast %jit3A_99 : bf16 to vector<256x128xbf16>
    %broadcast_in_dim3A_102 = vector.broadcast %jit3A_100 : bf16 to vector<256x128xbf16>
    %select_n3A_103 = arith.select %or3A_98, %broadcast_in_dim3A_101, %broadcast_in_dim3A_102 : vector<256x128xi1>, vector<256x128xbf16>
    %slice3A_104 = vector.extract_strided_slice %convert_element_type3A_8 {offsets = [8, 0], sizes = [1, 128], strides = [1, 1]} : vector<56x128xbf16> to vector<1x128xbf16>
    %eq3A_105 = vector.broadcast %slice3A_104 : vector<1x128xbf16> to vector<256x128xbf16>
    %eq3A_106 = arith.cmpf oeq, %convert_element_type3A_12, %eq3A_105 : vector<256x128xbf16>
    %slice3A_107 = vector.extract_strided_slice %convert_element_type3A_11 {offsets = [8, 0], sizes = [1, 128], strides = [1, 1]} : vector<56x128xbf16> to vector<1x128xbf16>
    %eq3A_108 = vector.broadcast %slice3A_107 : vector<1x128xbf16> to vector<256x128xbf16>
    %eq3A_109 = arith.cmpf oeq, %convert_element_type3A_12, %eq3A_108 : vector<256x128xbf16>
    %or3A_110 = arith.ori %eq3A_106, %eq3A_109 : vector<256x128xi1>
    %jit3A_111 = arith.constant 1.000000e+00 : bf16
    %jit3A_112 = arith.constant 0.000000e+00 : bf16
    %broadcast_in_dim3A_113 = vector.broadcast %jit3A_111 : bf16 to vector<256x128xbf16>
    %broadcast_in_dim3A_114 = vector.broadcast %jit3A_112 : bf16 to vector<256x128xbf16>
    %select_n3A_115 = arith.select %or3A_110, %broadcast_in_dim3A_113, %broadcast_in_dim3A_114 : vector<256x128xi1>, vector<256x128xbf16>
    %slice3A_116 = vector.extract_strided_slice %convert_element_type3A_8 {offsets = [9, 0], sizes = [1, 128], strides = [1, 1]} : vector<56x128xbf16> to vector<1x128xbf16>
    %eq3A_117 = vector.broadcast %slice3A_116 : vector<1x128xbf16> to vector<256x128xbf16>
    %eq3A_118 = arith.cmpf oeq, %convert_element_type3A_12, %eq3A_117 : vector<256x128xbf16>
    %slice3A_119 = vector.extract_strided_slice %convert_element_type3A_11 {offsets = [9, 0], sizes = [1, 128], strides = [1, 1]} : vector<56x128xbf16> to vector<1x128xbf16>
    %eq3A_120 = vector.broadcast %slice3A_119 : vector<1x128xbf16> to vector<256x128xbf16>
    %eq3A_121 = arith.cmpf oeq, %convert_element_type3A_12, %eq3A_120 : vector<256x128xbf16>
    %or3A_122 = arith.ori %eq3A_118, %eq3A_121 : vector<256x128xi1>
    %jit3A_123 = arith.constant 1.000000e+00 : bf16
    %jit3A_124 = arith.constant 0.000000e+00 : bf16
    %broadcast_in_dim3A_125 = vector.broadcast %jit3A_123 : bf16 to vector<256x128xbf16>
    %broadcast_in_dim3A_126 = vector.broadcast %jit3A_124 : bf16 to vector<256x128xbf16>
    %select_n3A_127 = arith.select %or3A_122, %broadcast_in_dim3A_125, %broadcast_in_dim3A_126 : vector<256x128xi1>, vector<256x128xbf16>
    %slice3A_128 = vector.extract_strided_slice %convert_element_type3A_8 {offsets = [10, 0], sizes = [1, 128], strides = [1, 1]} : vector<56x128xbf16> to vector<1x128xbf16>
    %eq3A_129 = vector.broadcast %slice3A_128 : vector<1x128xbf16> to vector<256x128xbf16>
    %eq3A_130 = arith.cmpf oeq, %convert_element_type3A_12, %eq3A_129 : vector<256x128xbf16>
    %slice3A_131 = vector.extract_strided_slice %convert_element_type3A_11 {offsets = [10, 0], sizes = [1, 128], strides = [1, 1]} : vector<56x128xbf16> to vector<1x128xbf16>
    %eq3A_132 = vector.broadcast %slice3A_131 : vector<1x128xbf16> to vector<256x128xbf16>
    %eq3A_133 = arith.cmpf oeq, %convert_element_type3A_12, %eq3A_132 : vector<256x128xbf16>
    %or3A_134 = arith.ori %eq3A_130, %eq3A_133 : vector<256x128xi1>
    %jit3A_135 = arith.constant 1.000000e+00 : bf16
    %jit3A_136 = arith.constant 0.000000e+00 : bf16
    %broadcast_in_dim3A_137 = vector.broadcast %jit3A_135 : bf16 to vector<256x128xbf16>
    %broadcast_in_dim3A_138 = vector.broadcast %jit3A_136 : bf16 to vector<256x128xbf16>
    %select_n3A_139 = arith.select %or3A_134, %broadcast_in_dim3A_137, %broadcast_in_dim3A_138 : vector<256x128xi1>, vector<256x128xbf16>
    %slice3A_140 = vector.extract_strided_slice %convert_element_type3A_8 {offsets = [11, 0], sizes = [1, 128], strides = [1, 1]} : vector<56x128xbf16> to vector<1x128xbf16>
    %eq3A_141 = vector.broadcast %slice3A_140 : vector<1x128xbf16> to vector<256x128xbf16>
    %eq3A_142 = arith.cmpf oeq, %convert_element_type3A_12, %eq3A_141 : vector<256x128xbf16>
    %slice3A_143 = vector.extract_strided_slice %convert_element_type3A_11 {offsets = [11, 0], sizes = [1, 128], strides = [1, 1]} : vector<56x128xbf16> to vector<1x128xbf16>
    %eq3A_144 = vector.broadcast %slice3A_143 : vector<1x128xbf16> to vector<256x128xbf16>
    %eq3A_145 = arith.cmpf oeq, %convert_element_type3A_12, %eq3A_144 : vector<256x128xbf16>
    %or3A_146 = arith.ori %eq3A_142, %eq3A_145 : vector<256x128xi1>
    %jit3A_147 = arith.constant 1.000000e+00 : bf16
    %jit3A_148 = arith.constant 0.000000e+00 : bf16
    %broadcast_in_dim3A_149 = vector.broadcast %jit3A_147 : bf16 to vector<256x128xbf16>
    %broadcast_in_dim3A_150 = vector.broadcast %jit3A_148 : bf16 to vector<256x128xbf16>
    %select_n3A_151 = arith.select %or3A_146, %broadcast_in_dim3A_149, %broadcast_in_dim3A_150 : vector<256x128xi1>, vector<256x128xbf16>
    %slice3A_152 = vector.extract_strided_slice %convert_element_type3A_8 {offsets = [12, 0], sizes = [1, 128], strides = [1, 1]} : vector<56x128xbf16> to vector<1x128xbf16>
    %eq3A_153 = vector.broadcast %slice3A_152 : vector<1x128xbf16> to vector<256x128xbf16>
    %eq3A_154 = arith.cmpf oeq, %convert_element_type3A_12, %eq3A_153 : vector<256x128xbf16>
    %slice3A_155 = vector.extract_strided_slice %convert_element_type3A_11 {offsets = [12, 0], sizes = [1, 128], strides = [1, 1]} : vector<56x128xbf16> to vector<1x128xbf16>
    %eq3A_156 = vector.broadcast %slice3A_155 : vector<1x128xbf16> to vector<256x128xbf16>
    %eq3A_157 = arith.cmpf oeq, %convert_element_type3A_12, %eq3A_156 : vector<256x128xbf16>
    %or3A_158 = arith.ori %eq3A_154, %eq3A_157 : vector<256x128xi1>
    %jit3A_159 = arith.constant 1.000000e+00 : bf16
    %jit3A_160 = arith.constant 0.000000e+00 : bf16
    %broadcast_in_dim3A_161 = vector.broadcast %jit3A_159 : bf16 to vector<256x128xbf16>
    %broadcast_in_dim3A_162 = vector.broadcast %jit3A_160 : bf16 to vector<256x128xbf16>
    %select_n3A_163 = arith.select %or3A_158, %broadcast_in_dim3A_161, %broadcast_in_dim3A_162 : vector<256x128xi1>, vector<256x128xbf16>
    %slice3A_164 = vector.extract_strided_slice %convert_element_type3A_8 {offsets = [13, 0], sizes = [1, 128], strides = [1, 1]} : vector<56x128xbf16> to vector<1x128xbf16>
    %eq3A_165 = vector.broadcast %slice3A_164 : vector<1x128xbf16> to vector<256x128xbf16>
    %eq3A_166 = arith.cmpf oeq, %convert_element_type3A_12, %eq3A_165 : vector<256x128xbf16>
    %slice3A_167 = vector.extract_strided_slice %convert_element_type3A_11 {offsets = [13, 0], sizes = [1, 128], strides = [1, 1]} : vector<56x128xbf16> to vector<1x128xbf16>
    %eq3A_168 = vector.broadcast %slice3A_167 : vector<1x128xbf16> to vector<256x128xbf16>
    %eq3A_169 = arith.cmpf oeq, %convert_element_type3A_12, %eq3A_168 : vector<256x128xbf16>
    %or3A_170 = arith.ori %eq3A_166, %eq3A_169 : vector<256x128xi1>
    %jit3A_171 = arith.constant 1.000000e+00 : bf16
    %jit3A_172 = arith.constant 0.000000e+00 : bf16
    %broadcast_in_dim3A_173 = vector.broadcast %jit3A_171 : bf16 to vector<256x128xbf16>
    %broadcast_in_dim3A_174 = vector.broadcast %jit3A_172 : bf16 to vector<256x128xbf16>
    %select_n3A_175 = arith.select %or3A_170, %broadcast_in_dim3A_173, %broadcast_in_dim3A_174 : vector<256x128xi1>, vector<256x128xbf16>
    %slice3A_176 = vector.extract_strided_slice %convert_element_type3A_8 {offsets = [14, 0], sizes = [1, 128], strides = [1, 1]} : vector<56x128xbf16> to vector<1x128xbf16>
    %eq3A_177 = vector.broadcast %slice3A_176 : vector<1x128xbf16> to vector<256x128xbf16>
    %eq3A_178 = arith.cmpf oeq, %convert_element_type3A_12, %eq3A_177 : vector<256x128xbf16>
    %slice3A_179 = vector.extract_strided_slice %convert_element_type3A_11 {offsets = [14, 0], sizes = [1, 128], strides = [1, 1]} : vector<56x128xbf16> to vector<1x128xbf16>
    %eq3A_180 = vector.broadcast %slice3A_179 : vector<1x128xbf16> to vector<256x128xbf16>
    %eq3A_181 = arith.cmpf oeq, %convert_element_type3A_12, %eq3A_180 : vector<256x128xbf16>
    %or3A_182 = arith.ori %eq3A_178, %eq3A_181 : vector<256x128xi1>
    %jit3A_183 = arith.constant 1.000000e+00 : bf16
    %jit3A_184 = arith.constant 0.000000e+00 : bf16
    %broadcast_in_dim3A_185 = vector.broadcast %jit3A_183 : bf16 to vector<256x128xbf16>
    %broadcast_in_dim3A_186 = vector.broadcast %jit3A_184 : bf16 to vector<256x128xbf16>
    %select_n3A_187 = arith.select %or3A_182, %broadcast_in_dim3A_185, %broadcast_in_dim3A_186 : vector<256x128xi1>, vector<256x128xbf16>
    %slice3A_188 = vector.extract_strided_slice %convert_element_type3A_8 {offsets = [15, 0], sizes = [1, 128], strides = [1, 1]} : vector<56x128xbf16> to vector<1x128xbf16>
    %eq3A_189 = vector.broadcast %slice3A_188 : vector<1x128xbf16> to vector<256x128xbf16>
    %eq3A_190 = arith.cmpf oeq, %convert_element_type3A_12, %eq3A_189 : vector<256x128xbf16>
    %slice3A_191 = vector.extract_strided_slice %convert_element_type3A_11 {offsets = [15, 0], sizes = [1, 128], strides = [1, 1]} : vector<56x128xbf16> to vector<1x128xbf16>
    %eq3A_192 = vector.broadcast %slice3A_191 : vector<1x128xbf16> to vector<256x128xbf16>
    %eq3A_193 = arith.cmpf oeq, %convert_element_type3A_12, %eq3A_192 : vector<256x128xbf16>
    %or3A_194 = arith.ori %eq3A_190, %eq3A_193 : vector<256x128xi1>
    %jit3A_195 = arith.constant 1.000000e+00 : bf16
    %jit3A_196 = arith.constant 0.000000e+00 : bf16
    %broadcast_in_dim3A_197 = vector.broadcast %jit3A_195 : bf16 to vector<256x128xbf16>
    %broadcast_in_dim3A_198 = vector.broadcast %jit3A_196 : bf16 to vector<256x128xbf16>
    %select_n3A_199 = arith.select %or3A_194, %broadcast_in_dim3A_197, %broadcast_in_dim3A_198 : vector<256x128xi1>, vector<256x128xbf16>
    %slice3A_200 = vector.extract_strided_slice %convert_element_type3A_8 {offsets = [16, 0], sizes = [1, 128], strides = [1, 1]} : vector<56x128xbf16> to vector<1x128xbf16>
    %eq3A_201 = vector.broadcast %slice3A_200 : vector<1x128xbf16> to vector<256x128xbf16>
    %eq3A_202 = arith.cmpf oeq, %convert_element_type3A_12, %eq3A_201 : vector<256x128xbf16>
    %slice3A_203 = vector.extract_strided_slice %convert_element_type3A_11 {offsets = [16, 0], sizes = [1, 128], strides = [1, 1]} : vector<56x128xbf16> to vector<1x128xbf16>
    %eq3A_204 = vector.broadcast %slice3A_203 : vector<1x128xbf16> to vector<256x128xbf16>
    %eq3A_205 = arith.cmpf oeq, %convert_element_type3A_12, %eq3A_204 : vector<256x128xbf16>
    %or3A_206 = arith.ori %eq3A_202, %eq3A_205 : vector<256x128xi1>
    %jit3A_207 = arith.constant 1.000000e+00 : bf16
    %jit3A_208 = arith.constant 0.000000e+00 : bf16
    %broadcast_in_dim3A_209 = vector.broadcast %jit3A_207 : bf16 to vector<256x128xbf16>
    %broadcast_in_dim3A_210 = vector.broadcast %jit3A_208 : bf16 to vector<256x128xbf16>
    %select_n3A_211 = arith.select %or3A_206, %broadcast_in_dim3A_209, %broadcast_in_dim3A_210 : vector<256x128xi1>, vector<256x128xbf16>
    %slice3A_212 = vector.extract_strided_slice %convert_element_type3A_8 {offsets = [17, 0], sizes = [1, 128], strides = [1, 1]} : vector<56x128xbf16> to vector<1x128xbf16>
    %eq3A_213 = vector.broadcast %slice3A_212 : vector<1x128xbf16> to vector<256x128xbf16>
    %eq3A_214 = arith.cmpf oeq, %convert_element_type3A_12, %eq3A_213 : vector<256x128xbf16>
    %slice3A_215 = vector.extract_strided_slice %convert_element_type3A_11 {offsets = [17, 0], sizes = [1, 128], strides = [1, 1]} : vector<56x128xbf16> to vector<1x128xbf16>
    %eq3A_216 = vector.broadcast %slice3A_215 : vector<1x128xbf16> to vector<256x128xbf16>
    %eq3A_217 = arith.cmpf oeq, %convert_element_type3A_12, %eq3A_216 : vector<256x128xbf16>
    %or3A_218 = arith.ori %eq3A_214, %eq3A_217 : vector<256x128xi1>
    %jit3A_219 = arith.constant 1.000000e+00 : bf16
    %jit3A_220 = arith.constant 0.000000e+00 : bf16
    %broadcast_in_dim3A_221 = vector.broadcast %jit3A_219 : bf16 to vector<256x128xbf16>
    %broadcast_in_dim3A_222 = vector.broadcast %jit3A_220 : bf16 to vector<256x128xbf16>
    %select_n3A_223 = arith.select %or3A_218, %broadcast_in_dim3A_221, %broadcast_in_dim3A_222 : vector<256x128xi1>, vector<256x128xbf16>
    %slice3A_224 = vector.extract_strided_slice %convert_element_type3A_8 {offsets = [18, 0], sizes = [1, 128], strides = [1, 1]} : vector<56x128xbf16> to vector<1x128xbf16>
    %eq3A_225 = vector.broadcast %slice3A_224 : vector<1x128xbf16> to vector<256x128xbf16>
    %eq3A_226 = arith.cmpf oeq, %convert_element_type3A_12, %eq3A_225 : vector<256x128xbf16>
    %slice3A_227 = vector.extract_strided_slice %convert_element_type3A_11 {offsets = [18, 0], sizes = [1, 128], strides = [1, 1]} : vector<56x128xbf16> to vector<1x128xbf16>
    %eq3A_228 = vector.broadcast %slice3A_227 : vector<1x128xbf16> to vector<256x128xbf16>
    %eq3A_229 = arith.cmpf oeq, %convert_element_type3A_12, %eq3A_228 : vector<256x128xbf16>
    %or3A_230 = arith.ori %eq3A_226, %eq3A_229 : vector<256x128xi1>
    %jit3A_231 = arith.constant 1.000000e+00 : bf16
    %jit3A_232 = arith.constant 0.000000e+00 : bf16
    %broadcast_in_dim3A_233 = vector.broadcast %jit3A_231 : bf16 to vector<256x128xbf16>
    %broadcast_in_dim3A_234 = vector.broadcast %jit3A_232 : bf16 to vector<256x128xbf16>
    %select_n3A_235 = arith.select %or3A_230, %broadcast_in_dim3A_233, %broadcast_in_dim3A_234 : vector<256x128xi1>, vector<256x128xbf16>
    %slice3A_236 = vector.extract_strided_slice %convert_element_type3A_8 {offsets = [19, 0], sizes = [1, 128], strides = [1, 1]} : vector<56x128xbf16> to vector<1x128xbf16>
    %eq3A_237 = vector.broadcast %slice3A_236 : vector<1x128xbf16> to vector<256x128xbf16>
    %eq3A_238 = arith.cmpf oeq, %convert_element_type3A_12, %eq3A_237 : vector<256x128xbf16>
    %slice3A_239 = vector.extract_strided_slice %convert_element_type3A_11 {offsets = [19, 0], sizes = [1, 128], strides = [1, 1]} : vector<56x128xbf16> to vector<1x128xbf16>
    %eq3A_240 = vector.broadcast %slice3A_239 : vector<1x128xbf16> to vector<256x128xbf16>
    %eq3A_241 = arith.cmpf oeq, %convert_element_type3A_12, %eq3A_240 : vector<256x128xbf16>
    %or3A_242 = arith.ori %eq3A_238, %eq3A_241 : vector<256x128xi1>
    %jit3A_243 = arith.constant 1.000000e+00 : bf16
    %jit3A_244 = arith.constant 0.000000e+00 : bf16
    %broadcast_in_dim3A_245 = vector.broadcast %jit3A_243 : bf16 to vector<256x128xbf16>
    %broadcast_in_dim3A_246 = vector.broadcast %jit3A_244 : bf16 to vector<256x128xbf16>
    %select_n3A_247 = arith.select %or3A_242, %broadcast_in_dim3A_245, %broadcast_in_dim3A_246 : vector<256x128xi1>, vector<256x128xbf16>
    %slice3A_248 = vector.extract_strided_slice %convert_element_type3A_8 {offsets = [20, 0], sizes = [1, 128], strides = [1, 1]} : vector<56x128xbf16> to vector<1x128xbf16>
    %eq3A_249 = vector.broadcast %slice3A_248 : vector<1x128xbf16> to vector<256x128xbf16>
    %eq3A_250 = arith.cmpf oeq, %convert_element_type3A_12, %eq3A_249 : vector<256x128xbf16>
    %slice3A_251 = vector.extract_strided_slice %convert_element_type3A_11 {offsets = [20, 0], sizes = [1, 128], strides = [1, 1]} : vector<56x128xbf16> to vector<1x128xbf16>
    %eq3A_252 = vector.broadcast %slice3A_251 : vector<1x128xbf16> to vector<256x128xbf16>
    %eq3A_253 = arith.cmpf oeq, %convert_element_type3A_12, %eq3A_252 : vector<256x128xbf16>
    %or3A_254 = arith.ori %eq3A_250, %eq3A_253 : vector<256x128xi1>
    %jit3A_255 = arith.constant 1.000000e+00 : bf16
    %jit3A_256 = arith.constant 0.000000e+00 : bf16
    %broadcast_in_dim3A_257 = vector.broadcast %jit3A_255 : bf16 to vector<256x128xbf16>
    %broadcast_in_dim3A_258 = vector.broadcast %jit3A_256 : bf16 to vector<256x128xbf16>
    %select_n3A_259 = arith.select %or3A_254, %broadcast_in_dim3A_257, %broadcast_in_dim3A_258 : vector<256x128xi1>, vector<256x128xbf16>
    %slice3A_260 = vector.extract_strided_slice %convert_element_type3A_8 {offsets = [21, 0], sizes = [1, 128], strides = [1, 1]} : vector<56x128xbf16> to vector<1x128xbf16>
    %eq3A_261 = vector.broadcast %slice3A_260 : vector<1x128xbf16> to vector<256x128xbf16>
    %eq3A_262 = arith.cmpf oeq, %convert_element_type3A_12, %eq3A_261 : vector<256x128xbf16>
    %slice3A_263 = vector.extract_strided_slice %convert_element_type3A_11 {offsets = [21, 0], sizes = [1, 128], strides = [1, 1]} : vector<56x128xbf16> to vector<1x128xbf16>
    %eq3A_264 = vector.broadcast %slice3A_263 : vector<1x128xbf16> to vector<256x128xbf16>
    %eq3A_265 = arith.cmpf oeq, %convert_element_type3A_12, %eq3A_264 : vector<256x128xbf16>
    %or3A_266 = arith.ori %eq3A_262, %eq3A_265 : vector<256x128xi1>
    %jit3A_267 = arith.constant 1.000000e+00 : bf16
    %jit3A_268 = arith.constant 0.000000e+00 : bf16
    %broadcast_in_dim3A_269 = vector.broadcast %jit3A_267 : bf16 to vector<256x128xbf16>
    %broadcast_in_dim3A_270 = vector.broadcast %jit3A_268 : bf16 to vector<256x128xbf16>
    %select_n3A_271 = arith.select %or3A_266, %broadcast_in_dim3A_269, %broadcast_in_dim3A_270 : vector<256x128xi1>, vector<256x128xbf16>
    %slice3A_272 = vector.extract_strided_slice %convert_element_type3A_8 {offsets = [22, 0], sizes = [1, 128], strides = [1, 1]} : vector<56x128xbf16> to vector<1x128xbf16>
    %eq3A_273 = vector.broadcast %slice3A_272 : vector<1x128xbf16> to vector<256x128xbf16>
    %eq3A_274 = arith.cmpf oeq, %convert_element_type3A_12, %eq3A_273 : vector<256x128xbf16>
    %slice3A_275 = vector.extract_strided_slice %convert_element_type3A_11 {offsets = [22, 0], sizes = [1, 128], strides = [1, 1]} : vector<56x128xbf16> to vector<1x128xbf16>
    %eq3A_276 = vector.broadcast %slice3A_275 : vector<1x128xbf16> to vector<256x128xbf16>
    %eq3A_277 = arith.cmpf oeq, %convert_element_type3A_12, %eq3A_276 : vector<256x128xbf16>
    %or3A_278 = arith.ori %eq3A_274, %eq3A_277 : vector<256x128xi1>
    %jit3A_279 = arith.constant 1.000000e+00 : bf16
    %jit3A_280 = arith.constant 0.000000e+00 : bf16
    %broadcast_in_dim3A_281 = vector.broadcast %jit3A_279 : bf16 to vector<256x128xbf16>
    %broadcast_in_dim3A_282 = vector.broadcast %jit3A_280 : bf16 to vector<256x128xbf16>
    %select_n3A_283 = arith.select %or3A_278, %broadcast_in_dim3A_281, %broadcast_in_dim3A_282 : vector<256x128xi1>, vector<256x128xbf16>
    %slice3A_284 = vector.extract_strided_slice %convert_element_type3A_8 {offsets = [23, 0], sizes = [1, 128], strides = [1, 1]} : vector<56x128xbf16> to vector<1x128xbf16>
    %eq3A_285 = vector.broadcast %slice3A_284 : vector<1x128xbf16> to vector<256x128xbf16>
    %eq3A_286 = arith.cmpf oeq, %convert_element_type3A_12, %eq3A_285 : vector<256x128xbf16>
    %slice3A_287 = vector.extract_strided_slice %convert_element_type3A_11 {offsets = [23, 0], sizes = [1, 128], strides = [1, 1]} : vector<56x128xbf16> to vector<1x128xbf16>
    %eq3A_288 = vector.broadcast %slice3A_287 : vector<1x128xbf16> to vector<256x128xbf16>
    %eq3A_289 = arith.cmpf oeq, %convert_element_type3A_12, %eq3A_288 : vector<256x128xbf16>
    %or3A_290 = arith.ori %eq3A_286, %eq3A_289 : vector<256x128xi1>
    %jit3A_291 = arith.constant 1.000000e+00 : bf16
    %jit3A_292 = arith.constant 0.000000e+00 : bf16
    %broadcast_in_dim3A_293 = vector.broadcast %jit3A_291 : bf16 to vector<256x128xbf16>
    %broadcast_in_dim3A_294 = vector.broadcast %jit3A_292 : bf16 to vector<256x128xbf16>
    %select_n3A_295 = arith.select %or3A_290, %broadcast_in_dim3A_293, %broadcast_in_dim3A_294 : vector<256x128xi1>, vector<256x128xbf16>
    %slice3A_296 = vector.extract_strided_slice %convert_element_type3A_8 {offsets = [24, 0], sizes = [1, 128], strides = [1, 1]} : vector<56x128xbf16> to vector<1x128xbf16>
    %eq3A_297 = vector.broadcast %slice3A_296 : vector<1x128xbf16> to vector<256x128xbf16>
    %eq3A_298 = arith.cmpf oeq, %convert_element_type3A_12, %eq3A_297 : vector<256x128xbf16>
    %slice3A_299 = vector.extract_strided_slice %convert_element_type3A_11 {offsets = [24, 0], sizes = [1, 128], strides = [1, 1]} : vector<56x128xbf16> to vector<1x128xbf16>
    %eq3A_300 = vector.broadcast %slice3A_299 : vector<1x128xbf16> to vector<256x128xbf16>
    %eq3A_301 = arith.cmpf oeq, %convert_element_type3A_12, %eq3A_300 : vector<256x128xbf16>
    %or3A_302 = arith.ori %eq3A_298, %eq3A_301 : vector<256x128xi1>
    %jit3A_303 = arith.constant 1.000000e+00 : bf16
    %jit3A_304 = arith.constant 0.000000e+00 : bf16
    %broadcast_in_dim3A_305 = vector.broadcast %jit3A_303 : bf16 to vector<256x128xbf16>
    %broadcast_in_dim3A_306 = vector.broadcast %jit3A_304 : bf16 to vector<256x128xbf16>
    %select_n3A_307 = arith.select %or3A_302, %broadcast_in_dim3A_305, %broadcast_in_dim3A_306 : vector<256x128xi1>, vector<256x128xbf16>
    %slice3A_308 = vector.extract_strided_slice %convert_element_type3A_8 {offsets = [25, 0], sizes = [1, 128], strides = [1, 1]} : vector<56x128xbf16> to vector<1x128xbf16>
    %eq3A_309 = vector.broadcast %slice3A_308 : vector<1x128xbf16> to vector<256x128xbf16>
    %eq3A_310 = arith.cmpf oeq, %convert_element_type3A_12, %eq3A_309 : vector<256x128xbf16>
    %slice3A_311 = vector.extract_strided_slice %convert_element_type3A_11 {offsets = [25, 0], sizes = [1, 128], strides = [1, 1]} : vector<56x128xbf16> to vector<1x128xbf16>
    %eq3A_312 = vector.broadcast %slice3A_311 : vector<1x128xbf16> to vector<256x128xbf16>
    %eq3A_313 = arith.cmpf oeq, %convert_element_type3A_12, %eq3A_312 : vector<256x128xbf16>
    %or3A_314 = arith.ori %eq3A_310, %eq3A_313 : vector<256x128xi1>
    %jit3A_315 = arith.constant 1.000000e+00 : bf16
    %jit3A_316 = arith.constant 0.000000e+00 : bf16
    %broadcast_in_dim3A_317 = vector.broadcast %jit3A_315 : bf16 to vector<256x128xbf16>
    %broadcast_in_dim3A_318 = vector.broadcast %jit3A_316 : bf16 to vector<256x128xbf16>
    %select_n3A_319 = arith.select %or3A_314, %broadcast_in_dim3A_317, %broadcast_in_dim3A_318 : vector<256x128xi1>, vector<256x128xbf16>
    %slice3A_320 = vector.extract_strided_slice %convert_element_type3A_8 {offsets = [26, 0], sizes = [1, 128], strides = [1, 1]} : vector<56x128xbf16> to vector<1x128xbf16>
    %eq3A_321 = vector.broadcast %slice3A_320 : vector<1x128xbf16> to vector<256x128xbf16>
    %eq3A_322 = arith.cmpf oeq, %convert_element_type3A_12, %eq3A_321 : vector<256x128xbf16>
    %slice3A_323 = vector.extract_strided_slice %convert_element_type3A_11 {offsets = [26, 0], sizes = [1, 128], strides = [1, 1]} : vector<56x128xbf16> to vector<1x128xbf16>
    %eq3A_324 = vector.broadcast %slice3A_323 : vector<1x128xbf16> to vector<256x128xbf16>
    %eq3A_325 = arith.cmpf oeq, %convert_element_type3A_12, %eq3A_324 : vector<256x128xbf16>
    %or3A_326 = arith.ori %eq3A_322, %eq3A_325 : vector<256x128xi1>
    %jit3A_327 = arith.constant 1.000000e+00 : bf16
    %jit3A_328 = arith.constant 0.000000e+00 : bf16
    %broadcast_in_dim3A_329 = vector.broadcast %jit3A_327 : bf16 to vector<256x128xbf16>
    %broadcast_in_dim3A_330 = vector.broadcast %jit3A_328 : bf16 to vector<256x128xbf16>
    %select_n3A_331 = arith.select %or3A_326, %broadcast_in_dim3A_329, %broadcast_in_dim3A_330 : vector<256x128xi1>, vector<256x128xbf16>
    %slice3A_332 = vector.extract_strided_slice %convert_element_type3A_8 {offsets = [27, 0], sizes = [1, 128], strides = [1, 1]} : vector<56x128xbf16> to vector<1x128xbf16>
    %eq3A_333 = vector.broadcast %slice3A_332 : vector<1x128xbf16> to vector<256x128xbf16>
    %eq3A_334 = arith.cmpf oeq, %convert_element_type3A_12, %eq3A_333 : vector<256x128xbf16>
    %slice3A_335 = vector.extract_strided_slice %convert_element_type3A_11 {offsets = [27, 0], sizes = [1, 128], strides = [1, 1]} : vector<56x128xbf16> to vector<1x128xbf16>
    %eq3A_336 = vector.broadcast %slice3A_335 : vector<1x128xbf16> to vector<256x128xbf16>
    %eq3A_337 = arith.cmpf oeq, %convert_element_type3A_12, %eq3A_336 : vector<256x128xbf16>
    %or3A_338 = arith.ori %eq3A_334, %eq3A_337 : vector<256x128xi1>
    %jit3A_339 = arith.constant 1.000000e+00 : bf16
    %jit3A_340 = arith.constant 0.000000e+00 : bf16
    %broadcast_in_dim3A_341 = vector.broadcast %jit3A_339 : bf16 to vector<256x128xbf16>
    %broadcast_in_dim3A_342 = vector.broadcast %jit3A_340 : bf16 to vector<256x128xbf16>
    %select_n3A_343 = arith.select %or3A_338, %broadcast_in_dim3A_341, %broadcast_in_dim3A_342 : vector<256x128xi1>, vector<256x128xbf16>
    %slice3A_344 = vector.extract_strided_slice %convert_element_type3A_8 {offsets = [28, 0], sizes = [1, 128], strides = [1, 1]} : vector<56x128xbf16> to vector<1x128xbf16>
    %eq3A_345 = vector.broadcast %slice3A_344 : vector<1x128xbf16> to vector<256x128xbf16>
    %eq3A_346 = arith.cmpf oeq, %convert_element_type3A_12, %eq3A_345 : vector<256x128xbf16>
    %slice3A_347 = vector.extract_strided_slice %convert_element_type3A_11 {offsets = [28, 0], sizes = [1, 128], strides = [1, 1]} : vector<56x128xbf16> to vector<1x128xbf16>
    %eq3A_348 = vector.broadcast %slice3A_347 : vector<1x128xbf16> to vector<256x128xbf16>
    %eq3A_349 = arith.cmpf oeq, %convert_element_type3A_12, %eq3A_348 : vector<256x128xbf16>
    %or3A_350 = arith.ori %eq3A_346, %eq3A_349 : vector<256x128xi1>
    %jit3A_351 = arith.constant 1.000000e+00 : bf16
    %jit3A_352 = arith.constant 0.000000e+00 : bf16
    %broadcast_in_dim3A_353 = vector.broadcast %jit3A_351 : bf16 to vector<256x128xbf16>
    %broadcast_in_dim3A_354 = vector.broadcast %jit3A_352 : bf16 to vector<256x128xbf16>
    %select_n3A_355 = arith.select %or3A_350, %broadcast_in_dim3A_353, %broadcast_in_dim3A_354 : vector<256x128xi1>, vector<256x128xbf16>
    %slice3A_356 = vector.extract_strided_slice %convert_element_type3A_8 {offsets = [29, 0], sizes = [1, 128], strides = [1, 1]} : vector<56x128xbf16> to vector<1x128xbf16>
    %eq3A_357 = vector.broadcast %slice3A_356 : vector<1x128xbf16> to vector<256x128xbf16>
    %eq3A_358 = arith.cmpf oeq, %convert_element_type3A_12, %eq3A_357 : vector<256x128xbf16>
    %slice3A_359 = vector.extract_strided_slice %convert_element_type3A_11 {offsets = [29, 0], sizes = [1, 128], strides = [1, 1]} : vector<56x128xbf16> to vector<1x128xbf16>
    %eq3A_360 = vector.broadcast %slice3A_359 : vector<1x128xbf16> to vector<256x128xbf16>
    %eq3A_361 = arith.cmpf oeq, %convert_element_type3A_12, %eq3A_360 : vector<256x128xbf16>
    %or3A_362 = arith.ori %eq3A_358, %eq3A_361 : vector<256x128xi1>
    %jit3A_363 = arith.constant 1.000000e+00 : bf16
    %jit3A_364 = arith.constant 0.000000e+00 : bf16
    %broadcast_in_dim3A_365 = vector.broadcast %jit3A_363 : bf16 to vector<256x128xbf16>
    %broadcast_in_dim3A_366 = vector.broadcast %jit3A_364 : bf16 to vector<256x128xbf16>
    %select_n3A_367 = arith.select %or3A_362, %broadcast_in_dim3A_365, %broadcast_in_dim3A_366 : vector<256x128xi1>, vector<256x128xbf16>
    %slice3A_368 = vector.extract_strided_slice %convert_element_type3A_8 {offsets = [30, 0], sizes = [1, 128], strides = [1, 1]} : vector<56x128xbf16> to vector<1x128xbf16>
    %eq3A_369 = vector.broadcast %slice3A_368 : vector<1x128xbf16> to vector<256x128xbf16>
    %eq3A_370 = arith.cmpf oeq, %convert_element_type3A_12, %eq3A_369 : vector<256x128xbf16>
    %slice3A_371 = vector.extract_strided_slice %convert_element_type3A_11 {offsets = [30, 0], sizes = [1, 128], strides = [1, 1]} : vector<56x128xbf16> to vector<1x128xbf16>
    %eq3A_372 = vector.broadcast %slice3A_371 : vector<1x128xbf16> to vector<256x128xbf16>
    %eq3A_373 = arith.cmpf oeq, %convert_element_type3A_12, %eq3A_372 : vector<256x128xbf16>
    %or3A_374 = arith.ori %eq3A_370, %eq3A_373 : vector<256x128xi1>
    %jit3A_375 = arith.constant 1.000000e+00 : bf16
    %jit3A_376 = arith.constant 0.000000e+00 : bf16
    %broadcast_in_dim3A_377 = vector.broadcast %jit3A_375 : bf16 to vector<256x128xbf16>
    %broadcast_in_dim3A_378 = vector.broadcast %jit3A_376 : bf16 to vector<256x128xbf16>
    %select_n3A_379 = arith.select %or3A_374, %broadcast_in_dim3A_377, %broadcast_in_dim3A_378 : vector<256x128xi1>, vector<256x128xbf16>
    %slice3A_380 = vector.extract_strided_slice %convert_element_type3A_8 {offsets = [31, 0], sizes = [1, 128], strides = [1, 1]} : vector<56x128xbf16> to vector<1x128xbf16>
    %eq3A_381 = vector.broadcast %slice3A_380 : vector<1x128xbf16> to vector<256x128xbf16>
    %eq3A_382 = arith.cmpf oeq, %convert_element_type3A_12, %eq3A_381 : vector<256x128xbf16>
    %slice3A_383 = vector.extract_strided_slice %convert_element_type3A_11 {offsets = [31, 0], sizes = [1, 128], strides = [1, 1]} : vector<56x128xbf16> to vector<1x128xbf16>
    %eq3A_384 = vector.broadcast %slice3A_383 : vector<1x128xbf16> to vector<256x128xbf16>
    %eq3A_385 = arith.cmpf oeq, %convert_element_type3A_12, %eq3A_384 : vector<256x128xbf16>
    %or3A_386 = arith.ori %eq3A_382, %eq3A_385 : vector<256x128xi1>
    %jit3A_387 = arith.constant 1.000000e+00 : bf16
    %jit3A_388 = arith.constant 0.000000e+00 : bf16
    %broadcast_in_dim3A_389 = vector.broadcast %jit3A_387 : bf16 to vector<256x128xbf16>
    %broadcast_in_dim3A_390 = vector.broadcast %jit3A_388 : bf16 to vector<256x128xbf16>
    %select_n3A_391 = arith.select %or3A_386, %broadcast_in_dim3A_389, %broadcast_in_dim3A_390 : vector<256x128xi1>, vector<256x128xbf16>
    %slice3A_392 = vector.extract_strided_slice %convert_element_type3A_8 {offsets = [32, 0], sizes = [1, 128], strides = [1, 1]} : vector<56x128xbf16> to vector<1x128xbf16>
    %eq3A_393 = vector.broadcast %slice3A_392 : vector<1x128xbf16> to vector<256x128xbf16>
    %eq3A_394 = arith.cmpf oeq, %convert_element_type3A_12, %eq3A_393 : vector<256x128xbf16>
    %slice3A_395 = vector.extract_strided_slice %convert_element_type3A_11 {offsets = [32, 0], sizes = [1, 128], strides = [1, 1]} : vector<56x128xbf16> to vector<1x128xbf16>
    %eq3A_396 = vector.broadcast %slice3A_395 : vector<1x128xbf16> to vector<256x128xbf16>
    %eq3A_397 = arith.cmpf oeq, %convert_element_type3A_12, %eq3A_396 : vector<256x128xbf16>
    %or3A_398 = arith.ori %eq3A_394, %eq3A_397 : vector<256x128xi1>
    %jit3A_399 = arith.constant 1.000000e+00 : bf16
    %jit3A_400 = arith.constant 0.000000e+00 : bf16
    %broadcast_in_dim3A_401 = vector.broadcast %jit3A_399 : bf16 to vector<256x128xbf16>
    %broadcast_in_dim3A_402 = vector.broadcast %jit3A_400 : bf16 to vector<256x128xbf16>
    %select_n3A_403 = arith.select %or3A_398, %broadcast_in_dim3A_401, %broadcast_in_dim3A_402 : vector<256x128xi1>, vector<256x128xbf16>
    %slice3A_404 = vector.extract_strided_slice %convert_element_type3A_8 {offsets = [33, 0], sizes = [1, 128], strides = [1, 1]} : vector<56x128xbf16> to vector<1x128xbf16>
    %eq3A_405 = vector.broadcast %slice3A_404 : vector<1x128xbf16> to vector<256x128xbf16>
    %eq3A_406 = arith.cmpf oeq, %convert_element_type3A_12, %eq3A_405 : vector<256x128xbf16>
    %slice3A_407 = vector.extract_strided_slice %convert_element_type3A_11 {offsets = [33, 0], sizes = [1, 128], strides = [1, 1]} : vector<56x128xbf16> to vector<1x128xbf16>
    %eq3A_408 = vector.broadcast %slice3A_407 : vector<1x128xbf16> to vector<256x128xbf16>
    %eq3A_409 = arith.cmpf oeq, %convert_element_type3A_12, %eq3A_408 : vector<256x128xbf16>
    %or3A_410 = arith.ori %eq3A_406, %eq3A_409 : vector<256x128xi1>
    %jit3A_411 = arith.constant 1.000000e+00 : bf16
    %jit3A_412 = arith.constant 0.000000e+00 : bf16
    %broadcast_in_dim3A_413 = vector.broadcast %jit3A_411 : bf16 to vector<256x128xbf16>
    %broadcast_in_dim3A_414 = vector.broadcast %jit3A_412 : bf16 to vector<256x128xbf16>
    %select_n3A_415 = arith.select %or3A_410, %broadcast_in_dim3A_413, %broadcast_in_dim3A_414 : vector<256x128xi1>, vector<256x128xbf16>
    %slice3A_416 = vector.extract_strided_slice %convert_element_type3A_8 {offsets = [34, 0], sizes = [1, 128], strides = [1, 1]} : vector<56x128xbf16> to vector<1x128xbf16>
    %eq3A_417 = vector.broadcast %slice3A_416 : vector<1x128xbf16> to vector<256x128xbf16>
    %eq3A_418 = arith.cmpf oeq, %convert_element_type3A_12, %eq3A_417 : vector<256x128xbf16>
    %slice3A_419 = vector.extract_strided_slice %convert_element_type3A_11 {offsets = [34, 0], sizes = [1, 128], strides = [1, 1]} : vector<56x128xbf16> to vector<1x128xbf16>
    %eq3A_420 = vector.broadcast %slice3A_419 : vector<1x128xbf16> to vector<256x128xbf16>
    %eq3A_421 = arith.cmpf oeq, %convert_element_type3A_12, %eq3A_420 : vector<256x128xbf16>
    %or3A_422 = arith.ori %eq3A_418, %eq3A_421 : vector<256x128xi1>
    %jit3A_423 = arith.constant 1.000000e+00 : bf16
    %jit3A_424 = arith.constant 0.000000e+00 : bf16
    %broadcast_in_dim3A_425 = vector.broadcast %jit3A_423 : bf16 to vector<256x128xbf16>
    %broadcast_in_dim3A_426 = vector.broadcast %jit3A_424 : bf16 to vector<256x128xbf16>
    %select_n3A_427 = arith.select %or3A_422, %broadcast_in_dim3A_425, %broadcast_in_dim3A_426 : vector<256x128xi1>, vector<256x128xbf16>
    %slice3A_428 = vector.extract_strided_slice %convert_element_type3A_8 {offsets = [35, 0], sizes = [1, 128], strides = [1, 1]} : vector<56x128xbf16> to vector<1x128xbf16>
    %eq3A_429 = vector.broadcast %slice3A_428 : vector<1x128xbf16> to vector<256x128xbf16>
    %eq3A_430 = arith.cmpf oeq, %convert_element_type3A_12, %eq3A_429 : vector<256x128xbf16>
    %slice3A_431 = vector.extract_strided_slice %convert_element_type3A_11 {offsets = [35, 0], sizes = [1, 128], strides = [1, 1]} : vector<56x128xbf16> to vector<1x128xbf16>
    %eq3A_432 = vector.broadcast %slice3A_431 : vector<1x128xbf16> to vector<256x128xbf16>
    %eq3A_433 = arith.cmpf oeq, %convert_element_type3A_12, %eq3A_432 : vector<256x128xbf16>
    %or3A_434 = arith.ori %eq3A_430, %eq3A_433 : vector<256x128xi1>
    %jit3A_435 = arith.constant 1.000000e+00 : bf16
    %jit3A_436 = arith.constant 0.000000e+00 : bf16
    %broadcast_in_dim3A_437 = vector.broadcast %jit3A_435 : bf16 to vector<256x128xbf16>
    %broadcast_in_dim3A_438 = vector.broadcast %jit3A_436 : bf16 to vector<256x128xbf16>
    %select_n3A_439 = arith.select %or3A_434, %broadcast_in_dim3A_437, %broadcast_in_dim3A_438 : vector<256x128xi1>, vector<256x128xbf16>
    %slice3A_440 = vector.extract_strided_slice %convert_element_type3A_8 {offsets = [36, 0], sizes = [1, 128], strides = [1, 1]} : vector<56x128xbf16> to vector<1x128xbf16>
    %eq3A_441 = vector.broadcast %slice3A_440 : vector<1x128xbf16> to vector<256x128xbf16>
    %eq3A_442 = arith.cmpf oeq, %convert_element_type3A_12, %eq3A_441 : vector<256x128xbf16>
    %slice3A_443 = vector.extract_strided_slice %convert_element_type3A_11 {offsets = [36, 0], sizes = [1, 128], strides = [1, 1]} : vector<56x128xbf16> to vector<1x128xbf16>
    %eq3A_444 = vector.broadcast %slice3A_443 : vector<1x128xbf16> to vector<256x128xbf16>
    %eq3A_445 = arith.cmpf oeq, %convert_element_type3A_12, %eq3A_444 : vector<256x128xbf16>
    %or3A_446 = arith.ori %eq3A_442, %eq3A_445 : vector<256x128xi1>
    %jit3A_447 = arith.constant 1.000000e+00 : bf16
    %jit3A_448 = arith.constant 0.000000e+00 : bf16
    %broadcast_in_dim3A_449 = vector.broadcast %jit3A_447 : bf16 to vector<256x128xbf16>
    %broadcast_in_dim3A_450 = vector.broadcast %jit3A_448 : bf16 to vector<256x128xbf16>
    %select_n3A_451 = arith.select %or3A_446, %broadcast_in_dim3A_449, %broadcast_in_dim3A_450 : vector<256x128xi1>, vector<256x128xbf16>
    %slice3A_452 = vector.extract_strided_slice %convert_element_type3A_8 {offsets = [37, 0], sizes = [1, 128], strides = [1, 1]} : vector<56x128xbf16> to vector<1x128xbf16>
    %eq3A_453 = vector.broadcast %slice3A_452 : vector<1x128xbf16> to vector<256x128xbf16>
    %eq3A_454 = arith.cmpf oeq, %convert_element_type3A_12, %eq3A_453 : vector<256x128xbf16>
    %slice3A_455 = vector.extract_strided_slice %convert_element_type3A_11 {offsets = [37, 0], sizes = [1, 128], strides = [1, 1]} : vector<56x128xbf16> to vector<1x128xbf16>
    %eq3A_456 = vector.broadcast %slice3A_455 : vector<1x128xbf16> to vector<256x128xbf16>
    %eq3A_457 = arith.cmpf oeq, %convert_element_type3A_12, %eq3A_456 : vector<256x128xbf16>
    %or3A_458 = arith.ori %eq3A_454, %eq3A_457 : vector<256x128xi1>
    %jit3A_459 = arith.constant 1.000000e+00 : bf16
    %jit3A_460 = arith.constant 0.000000e+00 : bf16
    %broadcast_in_dim3A_461 = vector.broadcast %jit3A_459 : bf16 to vector<256x128xbf16>
    %broadcast_in_dim3A_462 = vector.broadcast %jit3A_460 : bf16 to vector<256x128xbf16>
    %select_n3A_463 = arith.select %or3A_458, %broadcast_in_dim3A_461, %broadcast_in_dim3A_462 : vector<256x128xi1>, vector<256x128xbf16>
    %slice3A_464 = vector.extract_strided_slice %convert_element_type3A_8 {offsets = [38, 0], sizes = [1, 128], strides = [1, 1]} : vector<56x128xbf16> to vector<1x128xbf16>
    %eq3A_465 = vector.broadcast %slice3A_464 : vector<1x128xbf16> to vector<256x128xbf16>
    %eq3A_466 = arith.cmpf oeq, %convert_element_type3A_12, %eq3A_465 : vector<256x128xbf16>
    %slice3A_467 = vector.extract_strided_slice %convert_element_type3A_11 {offsets = [38, 0], sizes = [1, 128], strides = [1, 1]} : vector<56x128xbf16> to vector<1x128xbf16>
    %eq3A_468 = vector.broadcast %slice3A_467 : vector<1x128xbf16> to vector<256x128xbf16>
    %eq3A_469 = arith.cmpf oeq, %convert_element_type3A_12, %eq3A_468 : vector<256x128xbf16>
    %or3A_470 = arith.ori %eq3A_466, %eq3A_469 : vector<256x128xi1>
    %jit3A_471 = arith.constant 1.000000e+00 : bf16
    %jit3A_472 = arith.constant 0.000000e+00 : bf16
    %broadcast_in_dim3A_473 = vector.broadcast %jit3A_471 : bf16 to vector<256x128xbf16>
    %broadcast_in_dim3A_474 = vector.broadcast %jit3A_472 : bf16 to vector<256x128xbf16>
    %select_n3A_475 = arith.select %or3A_470, %broadcast_in_dim3A_473, %broadcast_in_dim3A_474 : vector<256x128xi1>, vector<256x128xbf16>
    %slice3A_476 = vector.extract_strided_slice %convert_element_type3A_8 {offsets = [39, 0], sizes = [1, 128], strides = [1, 1]} : vector<56x128xbf16> to vector<1x128xbf16>
    %eq3A_477 = vector.broadcast %slice3A_476 : vector<1x128xbf16> to vector<256x128xbf16>
    %eq3A_478 = arith.cmpf oeq, %convert_element_type3A_12, %eq3A_477 : vector<256x128xbf16>
    %slice3A_479 = vector.extract_strided_slice %convert_element_type3A_11 {offsets = [39, 0], sizes = [1, 128], strides = [1, 1]} : vector<56x128xbf16> to vector<1x128xbf16>
    %eq3A_480 = vector.broadcast %slice3A_479 : vector<1x128xbf16> to vector<256x128xbf16>
    %eq3A_481 = arith.cmpf oeq, %convert_element_type3A_12, %eq3A_480 : vector<256x128xbf16>
    %or3A_482 = arith.ori %eq3A_478, %eq3A_481 : vector<256x128xi1>
    %jit3A_483 = arith.constant 1.000000e+00 : bf16
    %jit3A_484 = arith.constant 0.000000e+00 : bf16
    %broadcast_in_dim3A_485 = vector.broadcast %jit3A_483 : bf16 to vector<256x128xbf16>
    %broadcast_in_dim3A_486 = vector.broadcast %jit3A_484 : bf16 to vector<256x128xbf16>
    %select_n3A_487 = arith.select %or3A_482, %broadcast_in_dim3A_485, %broadcast_in_dim3A_486 : vector<256x128xi1>, vector<256x128xbf16>
    %slice3A_488 = vector.extract_strided_slice %convert_element_type3A_8 {offsets = [40, 0], sizes = [1, 128], strides = [1, 1]} : vector<56x128xbf16> to vector<1x128xbf16>
    %eq3A_489 = vector.broadcast %slice3A_488 : vector<1x128xbf16> to vector<256x128xbf16>
    %eq3A_490 = arith.cmpf oeq, %convert_element_type3A_12, %eq3A_489 : vector<256x128xbf16>
    %slice3A_491 = vector.extract_strided_slice %convert_element_type3A_11 {offsets = [40, 0], sizes = [1, 128], strides = [1, 1]} : vector<56x128xbf16> to vector<1x128xbf16>
    %eq3A_492 = vector.broadcast %slice3A_491 : vector<1x128xbf16> to vector<256x128xbf16>
    %eq3A_493 = arith.cmpf oeq, %convert_element_type3A_12, %eq3A_492 : vector<256x128xbf16>
    %or3A_494 = arith.ori %eq3A_490, %eq3A_493 : vector<256x128xi1>
    %jit3A_495 = arith.constant 1.000000e+00 : bf16
    %jit3A_496 = arith.constant 0.000000e+00 : bf16
    %broadcast_in_dim3A_497 = vector.broadcast %jit3A_495 : bf16 to vector<256x128xbf16>
    %broadcast_in_dim3A_498 = vector.broadcast %jit3A_496 : bf16 to vector<256x128xbf16>
    %select_n3A_499 = arith.select %or3A_494, %broadcast_in_dim3A_497, %broadcast_in_dim3A_498 : vector<256x128xi1>, vector<256x128xbf16>
    %slice3A_500 = vector.extract_strided_slice %convert_element_type3A_8 {offsets = [41, 0], sizes = [1, 128], strides = [1, 1]} : vector<56x128xbf16> to vector<1x128xbf16>
    %eq3A_501 = vector.broadcast %slice3A_500 : vector<1x128xbf16> to vector<256x128xbf16>
    %eq3A_502 = arith.cmpf oeq, %convert_element_type3A_12, %eq3A_501 : vector<256x128xbf16>
    %slice3A_503 = vector.extract_strided_slice %convert_element_type3A_11 {offsets = [41, 0], sizes = [1, 128], strides = [1, 1]} : vector<56x128xbf16> to vector<1x128xbf16>
    %eq3A_504 = vector.broadcast %slice3A_503 : vector<1x128xbf16> to vector<256x128xbf16>
    %eq3A_505 = arith.cmpf oeq, %convert_element_type3A_12, %eq3A_504 : vector<256x128xbf16>
    %or3A_506 = arith.ori %eq3A_502, %eq3A_505 : vector<256x128xi1>
    %jit3A_507 = arith.constant 1.000000e+00 : bf16
    %jit3A_508 = arith.constant 0.000000e+00 : bf16
    %broadcast_in_dim3A_509 = vector.broadcast %jit3A_507 : bf16 to vector<256x128xbf16>
    %broadcast_in_dim3A_510 = vector.broadcast %jit3A_508 : bf16 to vector<256x128xbf16>
    %select_n3A_511 = arith.select %or3A_506, %broadcast_in_dim3A_509, %broadcast_in_dim3A_510 : vector<256x128xi1>, vector<256x128xbf16>
    %slice3A_512 = vector.extract_strided_slice %convert_element_type3A_8 {offsets = [42, 0], sizes = [1, 128], strides = [1, 1]} : vector<56x128xbf16> to vector<1x128xbf16>
    %eq3A_513 = vector.broadcast %slice3A_512 : vector<1x128xbf16> to vector<256x128xbf16>
    %eq3A_514 = arith.cmpf oeq, %convert_element_type3A_12, %eq3A_513 : vector<256x128xbf16>
    %slice3A_515 = vector.extract_strided_slice %convert_element_type3A_11 {offsets = [42, 0], sizes = [1, 128], strides = [1, 1]} : vector<56x128xbf16> to vector<1x128xbf16>
    %eq3A_516 = vector.broadcast %slice3A_515 : vector<1x128xbf16> to vector<256x128xbf16>
    %eq3A_517 = arith.cmpf oeq, %convert_element_type3A_12, %eq3A_516 : vector<256x128xbf16>
    %or3A_518 = arith.ori %eq3A_514, %eq3A_517 : vector<256x128xi1>
    %jit3A_519 = arith.constant 1.000000e+00 : bf16
    %jit3A_520 = arith.constant 0.000000e+00 : bf16
    %broadcast_in_dim3A_521 = vector.broadcast %jit3A_519 : bf16 to vector<256x128xbf16>
    %broadcast_in_dim3A_522 = vector.broadcast %jit3A_520 : bf16 to vector<256x128xbf16>
    %select_n3A_523 = arith.select %or3A_518, %broadcast_in_dim3A_521, %broadcast_in_dim3A_522 : vector<256x128xi1>, vector<256x128xbf16>
    %slice3A_524 = vector.extract_strided_slice %convert_element_type3A_8 {offsets = [43, 0], sizes = [1, 128], strides = [1, 1]} : vector<56x128xbf16> to vector<1x128xbf16>
    %eq3A_525 = vector.broadcast %slice3A_524 : vector<1x128xbf16> to vector<256x128xbf16>
    %eq3A_526 = arith.cmpf oeq, %convert_element_type3A_12, %eq3A_525 : vector<256x128xbf16>
    %slice3A_527 = vector.extract_strided_slice %convert_element_type3A_11 {offsets = [43, 0], sizes = [1, 128], strides = [1, 1]} : vector<56x128xbf16> to vector<1x128xbf16>
    %eq3A_528 = vector.broadcast %slice3A_527 : vector<1x128xbf16> to vector<256x128xbf16>
    %eq3A_529 = arith.cmpf oeq, %convert_element_type3A_12, %eq3A_528 : vector<256x128xbf16>
    %or3A_530 = arith.ori %eq3A_526, %eq3A_529 : vector<256x128xi1>
    %jit3A_531 = arith.constant 1.000000e+00 : bf16
    %jit3A_532 = arith.constant 0.000000e+00 : bf16
    %broadcast_in_dim3A_533 = vector.broadcast %jit3A_531 : bf16 to vector<256x128xbf16>
    %broadcast_in_dim3A_534 = vector.broadcast %jit3A_532 : bf16 to vector<256x128xbf16>
    %select_n3A_535 = arith.select %or3A_530, %broadcast_in_dim3A_533, %broadcast_in_dim3A_534 : vector<256x128xi1>, vector<256x128xbf16>
    %slice3A_536 = vector.extract_strided_slice %convert_element_type3A_8 {offsets = [44, 0], sizes = [1, 128], strides = [1, 1]} : vector<56x128xbf16> to vector<1x128xbf16>
    %eq3A_537 = vector.broadcast %slice3A_536 : vector<1x128xbf16> to vector<256x128xbf16>
    %eq3A_538 = arith.cmpf oeq, %convert_element_type3A_12, %eq3A_537 : vector<256x128xbf16>
    %slice3A_539 = vector.extract_strided_slice %convert_element_type3A_11 {offsets = [44, 0], sizes = [1, 128], strides = [1, 1]} : vector<56x128xbf16> to vector<1x128xbf16>
    %eq3A_540 = vector.broadcast %slice3A_539 : vector<1x128xbf16> to vector<256x128xbf16>
    %eq3A_541 = arith.cmpf oeq, %convert_element_type3A_12, %eq3A_540 : vector<256x128xbf16>
    %or3A_542 = arith.ori %eq3A_538, %eq3A_541 : vector<256x128xi1>
    %jit3A_543 = arith.constant 1.000000e+00 : bf16
    %jit3A_544 = arith.constant 0.000000e+00 : bf16
    %broadcast_in_dim3A_545 = vector.broadcast %jit3A_543 : bf16 to vector<256x128xbf16>
    %broadcast_in_dim3A_546 = vector.broadcast %jit3A_544 : bf16 to vector<256x128xbf16>
    %select_n3A_547 = arith.select %or3A_542, %broadcast_in_dim3A_545, %broadcast_in_dim3A_546 : vector<256x128xi1>, vector<256x128xbf16>
    %slice3A_548 = vector.extract_strided_slice %convert_element_type3A_8 {offsets = [45, 0], sizes = [1, 128], strides = [1, 1]} : vector<56x128xbf16> to vector<1x128xbf16>
    %eq3A_549 = vector.broadcast %slice3A_548 : vector<1x128xbf16> to vector<256x128xbf16>
    %eq3A_550 = arith.cmpf oeq, %convert_element_type3A_12, %eq3A_549 : vector<256x128xbf16>
    %slice3A_551 = vector.extract_strided_slice %convert_element_type3A_11 {offsets = [45, 0], sizes = [1, 128], strides = [1, 1]} : vector<56x128xbf16> to vector<1x128xbf16>
    %eq3A_552 = vector.broadcast %slice3A_551 : vector<1x128xbf16> to vector<256x128xbf16>
    %eq3A_553 = arith.cmpf oeq, %convert_element_type3A_12, %eq3A_552 : vector<256x128xbf16>
    %or3A_554 = arith.ori %eq3A_550, %eq3A_553 : vector<256x128xi1>
    %jit3A_555 = arith.constant 1.000000e+00 : bf16
    %jit3A_556 = arith.constant 0.000000e+00 : bf16
    %broadcast_in_dim3A_557 = vector.broadcast %jit3A_555 : bf16 to vector<256x128xbf16>
    %broadcast_in_dim3A_558 = vector.broadcast %jit3A_556 : bf16 to vector<256x128xbf16>
    %select_n3A_559 = arith.select %or3A_554, %broadcast_in_dim3A_557, %broadcast_in_dim3A_558 : vector<256x128xi1>, vector<256x128xbf16>
    %slice3A_560 = vector.extract_strided_slice %convert_element_type3A_8 {offsets = [46, 0], sizes = [1, 128], strides = [1, 1]} : vector<56x128xbf16> to vector<1x128xbf16>
    %eq3A_561 = vector.broadcast %slice3A_560 : vector<1x128xbf16> to vector<256x128xbf16>
    %eq3A_562 = arith.cmpf oeq, %convert_element_type3A_12, %eq3A_561 : vector<256x128xbf16>
    %slice3A_563 = vector.extract_strided_slice %convert_element_type3A_11 {offsets = [46, 0], sizes = [1, 128], strides = [1, 1]} : vector<56x128xbf16> to vector<1x128xbf16>
    %eq3A_564 = vector.broadcast %slice3A_563 : vector<1x128xbf16> to vector<256x128xbf16>
    %eq3A_565 = arith.cmpf oeq, %convert_element_type3A_12, %eq3A_564 : vector<256x128xbf16>
    %or3A_566 = arith.ori %eq3A_562, %eq3A_565 : vector<256x128xi1>
    %jit3A_567 = arith.constant 1.000000e+00 : bf16
    %jit3A_568 = arith.constant 0.000000e+00 : bf16
    %broadcast_in_dim3A_569 = vector.broadcast %jit3A_567 : bf16 to vector<256x128xbf16>
    %broadcast_in_dim3A_570 = vector.broadcast %jit3A_568 : bf16 to vector<256x128xbf16>
    %select_n3A_571 = arith.select %or3A_566, %broadcast_in_dim3A_569, %broadcast_in_dim3A_570 : vector<256x128xi1>, vector<256x128xbf16>
    %slice3A_572 = vector.extract_strided_slice %convert_element_type3A_8 {offsets = [47, 0], sizes = [1, 128], strides = [1, 1]} : vector<56x128xbf16> to vector<1x128xbf16>
    %eq3A_573 = vector.broadcast %slice3A_572 : vector<1x128xbf16> to vector<256x128xbf16>
    %eq3A_574 = arith.cmpf oeq, %convert_element_type3A_12, %eq3A_573 : vector<256x128xbf16>
    %slice3A_575 = vector.extract_strided_slice %convert_element_type3A_11 {offsets = [47, 0], sizes = [1, 128], strides = [1, 1]} : vector<56x128xbf16> to vector<1x128xbf16>
    %eq3A_576 = vector.broadcast %slice3A_575 : vector<1x128xbf16> to vector<256x128xbf16>
    %eq3A_577 = arith.cmpf oeq, %convert_element_type3A_12, %eq3A_576 : vector<256x128xbf16>
    %or3A_578 = arith.ori %eq3A_574, %eq3A_577 : vector<256x128xi1>
    %jit3A_579 = arith.constant 1.000000e+00 : bf16
    %jit3A_580 = arith.constant 0.000000e+00 : bf16
    %broadcast_in_dim3A_581 = vector.broadcast %jit3A_579 : bf16 to vector<256x128xbf16>
    %broadcast_in_dim3A_582 = vector.broadcast %jit3A_580 : bf16 to vector<256x128xbf16>
    %select_n3A_583 = arith.select %or3A_578, %broadcast_in_dim3A_581, %broadcast_in_dim3A_582 : vector<256x128xi1>, vector<256x128xbf16>
    %slice3A_584 = vector.extract_strided_slice %convert_element_type3A_8 {offsets = [48, 0], sizes = [1, 128], strides = [1, 1]} : vector<56x128xbf16> to vector<1x128xbf16>
    %eq3A_585 = vector.broadcast %slice3A_584 : vector<1x128xbf16> to vector<256x128xbf16>
    %eq3A_586 = arith.cmpf oeq, %convert_element_type3A_12, %eq3A_585 : vector<256x128xbf16>
    %slice3A_587 = vector.extract_strided_slice %convert_element_type3A_11 {offsets = [48, 0], sizes = [1, 128], strides = [1, 1]} : vector<56x128xbf16> to vector<1x128xbf16>
    %eq3A_588 = vector.broadcast %slice3A_587 : vector<1x128xbf16> to vector<256x128xbf16>
    %eq3A_589 = arith.cmpf oeq, %convert_element_type3A_12, %eq3A_588 : vector<256x128xbf16>
    %or3A_590 = arith.ori %eq3A_586, %eq3A_589 : vector<256x128xi1>
    %jit3A_591 = arith.constant 1.000000e+00 : bf16
    %jit3A_592 = arith.constant 0.000000e+00 : bf16
    %broadcast_in_dim3A_593 = vector.broadcast %jit3A_591 : bf16 to vector<256x128xbf16>
    %broadcast_in_dim3A_594 = vector.broadcast %jit3A_592 : bf16 to vector<256x128xbf16>
    %select_n3A_595 = arith.select %or3A_590, %broadcast_in_dim3A_593, %broadcast_in_dim3A_594 : vector<256x128xi1>, vector<256x128xbf16>
    %slice3A_596 = vector.extract_strided_slice %convert_element_type3A_8 {offsets = [49, 0], sizes = [1, 128], strides = [1, 1]} : vector<56x128xbf16> to vector<1x128xbf16>
    %eq3A_597 = vector.broadcast %slice3A_596 : vector<1x128xbf16> to vector<256x128xbf16>
    %eq3A_598 = arith.cmpf oeq, %convert_element_type3A_12, %eq3A_597 : vector<256x128xbf16>
    %slice3A_599 = vector.extract_strided_slice %convert_element_type3A_11 {offsets = [49, 0], sizes = [1, 128], strides = [1, 1]} : vector<56x128xbf16> to vector<1x128xbf16>
    %eq3A_600 = vector.broadcast %slice3A_599 : vector<1x128xbf16> to vector<256x128xbf16>
    %eq3A_601 = arith.cmpf oeq, %convert_element_type3A_12, %eq3A_600 : vector<256x128xbf16>
    %or3A_602 = arith.ori %eq3A_598, %eq3A_601 : vector<256x128xi1>
    %jit3A_603 = arith.constant 1.000000e+00 : bf16
    %jit3A_604 = arith.constant 0.000000e+00 : bf16
    %broadcast_in_dim3A_605 = vector.broadcast %jit3A_603 : bf16 to vector<256x128xbf16>
    %broadcast_in_dim3A_606 = vector.broadcast %jit3A_604 : bf16 to vector<256x128xbf16>
    %select_n3A_607 = arith.select %or3A_602, %broadcast_in_dim3A_605, %broadcast_in_dim3A_606 : vector<256x128xi1>, vector<256x128xbf16>
    %concatenate3A = tpu.concatenate %select_n3A, %select_n3A_31, %select_n3A_43, %select_n3A_55, %select_n3A_67, %select_n3A_79, %select_n3A_91, %select_n3A_103, %select_n3A_115, %select_n3A_127, %select_n3A_139, %select_n3A_151, %select_n3A_163, %select_n3A_175, %select_n3A_187, %select_n3A_199, %select_n3A_211, %select_n3A_223, %select_n3A_235, %select_n3A_247, %select_n3A_259, %select_n3A_271, %select_n3A_283, %select_n3A_295, %select_n3A_307, %select_n3A_319, %select_n3A_331, %select_n3A_343, %select_n3A_355, %select_n3A_367, %select_n3A_379, %select_n3A_391, %select_n3A_403, %select_n3A_415, %select_n3A_427, %select_n3A_439, %select_n3A_451, %select_n3A_463, %select_n3A_475, %select_n3A_487, %select_n3A_499, %select_n3A_511, %select_n3A_523, %select_n3A_535, %select_n3A_547, %select_n3A_559, %select_n3A_571, %select_n3A_583, %select_n3A_595, %select_n3A_607 in 1 : vector<256x128xbf16>, vector<256x128xbf16>, vector<256x128xbf16>, vector<256x128xbf16>, vector<256x128xbf16>, vector<256x128xbf16>, vector<256x128xbf16>, vector<256x128xbf16>, vector<256x128xbf16>, vector<256x128xbf16>, vector<256x128xbf16>, vector<256x128xbf16>, vector<256x128xbf16>, vector<256x128xbf16>, vector<256x128xbf16>, vector<256x128xbf16>, vector<256x128xbf16>, vector<256x128xbf16>, vector<256x128xbf16>, vector<256x128xbf16>, vector<256x128xbf16>, vector<256x128xbf16>, vector<256x128xbf16>, vector<256x128xbf16>, vector<256x128xbf16>, vector<256x128xbf16>, vector<256x128xbf16>, vector<256x128xbf16>, vector<256x128xbf16>, vector<256x128xbf16>, vector<256x128xbf16>, vector<256x128xbf16>, vector<256x128xbf16>, vector<256x128xbf16>, vector<256x128xbf16>, vector<256x128xbf16>, vector<256x128xbf16>, vector<256x128xbf16>, vector<256x128xbf16>, vector<256x128xbf16>, vector<256x128xbf16>, vector<256x128xbf16>, vector<256x128xbf16>, vector<256x128xbf16>, vector<256x128xbf16>, vector<256x128xbf16>, vector<256x128xbf16>, vector<256x128xbf16>, vector<256x128xbf16>, vector<256x128xbf16> -> vector<256x6400xbf16>
    %get3A_608 = arith.constant 0 : index
    %get3A_609 = arith.constant 0 : index
    %get3A_610 = vector.load %arg12[%get3A_608, %get3A_609] : memref<256x128xbf16, #tpu.memory_space<vmem>>, vector<256x128xbf16>
    %dot_general3A = arith.constant dense<0.000000e+00> : vector<6400x128xf32>
    %dot_general3A_611 = tpu.matmul %concatenate3A, %get3A_610, %dot_general3A {dimension_numbers = #tpu.dot_dimension_numbers<[0], [0], [1], [1], [0, 1, 1, 1], [], []>, transpose_lhs_hint = false} : vector<256x6400xbf16>, vector<256x128xbf16>, vector<6400x128xf32> -> vector<6400x128xf32>
    %get3A_612 = arith.constant 0 : index
    %get3A_613 = arith.constant 0 : index
    %get3A_614 = vector.load %arg4[%get3A_612, %get3A_613] : memref<16x128xf32, #tpu.memory_space<vmem>>, vector<16x128xf32>
    %get3A_615 = arith.constant 0 : index
    %get3A_616 = arith.constant 0 : index
    %get3A_617 = vector.load %arg2[%get3A_615, %get3A_616] : memref<16x6400xf32, #tpu.memory_space<vmem>>, vector<16x6400xf32>
    %dot_general3A_618 = arith.constant dense<0.000000e+00> : vector<128x6400xf32>
    %dot_general3A_619 = tpu.matmul %get3A_614, %get3A_617, %dot_general3A_618 {dimension_numbers = #tpu.dot_dimension_numbers<[0], [0], [1], [1], [0, 1, 1, 1], [], []>, transpose_lhs_hint = false} : vector<16x128xf32>, vector<16x6400xf32>, vector<128x6400xf32> -> vector<128x6400xf32>
    %get3A_620 = arith.constant 0 : index
    %get3A_621 = arith.constant 0 : index
    %get3A_622 = vector.load %arg5[%get3A_620, %get3A_621] : memref<128x1xf32, #tpu.memory_space<vmem>>, vector<128x1xf32>
    %add3A = vector.broadcast %get3A_622 : vector<128x1xf32> to vector<128x6400xf32>
    %add3A_623 = arith.addf %dot_general3A_619, %add3A : vector<128x6400xf32>
    %convert_element_type3A_624 = arith.truncf %add3A_623 : vector<128x6400xf32> to vector<128x6400xbf16>
    %mul3A = arith.constant 5.000000e-01 : bf16
    %mul3A_625 = vector.broadcast %mul3A : bf16 to vector<128x6400xbf16>
    %mul3A_626 = arith.mulf %mul3A_625, %convert_element_type3A_624 : vector<128x6400xbf16>
    %tanh3A = math.tanh %mul3A_626 : vector<128x6400xbf16>
    %mul3A_627 = arith.mulf %mul3A_626, %tanh3A : vector<128x6400xbf16>
    %add3A_628 = arith.addf %mul3A_626, %mul3A_627 : vector<128x6400xbf16>
    %get3A_629 = arith.constant 0 : index
    %get3A_630 = arith.constant 0 : index
    %get3A_631 = vector.load %arg8[%get3A_629, %get3A_630] : memref<128x128xf32, #tpu.memory_space<vmem>>, vector<128x128xf32>
    %dot_general3A_632 = arith.constant dense<0.000000e+00> : vector<6400x128xf32>
    %dot_general3A_633 = tpu.matmul %add3A_628, %get3A_631, %dot_general3A_632 {dimension_numbers = #tpu.dot_dimension_numbers<[0], [0], [1], [1], [0, 1, 1, 1], [], []>, transpose_lhs_hint = false} : vector<128x6400xbf16>, vector<128x128xf32>, vector<6400x128xf32> -> vector<6400x128xf32>
    %add3A_634 = arith.addf %dot_general3A_633, %dot_general3A_611 : vector<6400x128xf32>
    %get3A_635 = arith.constant 0 : index
    %get3A_636 = arith.constant 0 : index
    %get3A_637 = vector.load %arg9[%get3A_635, %get3A_636] : memref<1x128xf32, #tpu.memory_space<vmem>>, vector<1x128xf32>
    %add3A_638 = vector.broadcast %get3A_637 : vector<1x128xf32> to vector<6400x128xf32>
    %add3A_639 = arith.addf %add3A_634, %add3A_638 : vector<6400x128xf32>
    %mul3A_640 = arith.constant 5.000000e-01 : f32
    %mul3A_641 = vector.broadcast %mul3A_640 : f32 to vector<6400x128xf32>
    %mul3A_642 = arith.mulf %mul3A_641, %add3A_639 : vector<6400x128xf32>
    %tanh3A_643 = math.tanh %mul3A_642 : vector<6400x128xf32>
    %mul3A_644 = arith.mulf %mul3A_642, %tanh3A_643 : vector<6400x128xf32>
    %add3A_645 = arith.addf %mul3A_642, %mul3A_644 : vector<6400x128xf32>
    %swap3A = arith.constant 0 : index
    %swap3A_646 = arith.constant 0 : index
    %swap3A_647 = vector.load %arg10[%swap3A, %swap3A_646] : memref<6400x128xf32, #tpu.memory_space<vmem>>, vector<6400x128xf32>
    tpu.vector_store %arg10[%swap3A, %swap3A_646], %add3A_645 {strides = array<i32>} : memref<6400x128xf32, #tpu.memory_space<vmem>>, vector<6400x128xf32>,
    return
  }
  func.func @transform_0(%arg0: i32) -> (i32, i32, i32) {
    %c0_i32 = arith.constant 0 : i32
    %c0_i32_0 = arith.constant 0 : i32
    %c0_i32_1 = arith.constant 0 : i32
    return %arg0, %c0_i32, %c0_i32_0 : i32, i32, i32
  }
  func.func @transform_1(%arg0: i32) -> (i32, i32) {
    %c0_i32 = arith.constant 0 : i32
    %c0_i32_0 = arith.constant 0 : i32
    return %c0_i32, %arg0 : i32, i32
  }
  func.func @transform_2(%arg0: i32) -> (i32, i32) {
    %c0_i32 = arith.constant 0 : i32
    %c0_i32_0 = arith.constant 0 : i32
    %c0_i32_1 = arith.constant 0 : i32
    return %c0_i32, %c0_i32_0 : i32, i32
  }
  func.func @transform_3(%arg0: i32) -> (i32, i32) {
    %c0_i32 = arith.constant 0 : i32
    %c0_i32_0 = arith.constant 0 : i32
    %c0_i32_1 = arith.constant 0 : i32
    return %c0_i32, %c0_i32_0 : i32, i32
  }
  func.func @transform_4(%arg0: i32) -> (i32, i32) {
    %c0_i32 = arith.constant 0 : i32
    %c0_i32_0 = arith.constant 0 : i32
    %c0_i32_1 = arith.constant 0 : i32
    return %c0_i32, %c0_i32_0 : i32, i32
  }
  func.func @transform_5(%arg0: i32) -> (i32, i32) {
    %c0_i32 = arith.constant 0 : i32
    %c0_i32_0 = arith.constant 0 : i32
    %c0_i32_1 = arith.constant 0 : i32
    return %c0_i32, %c0_i32_0 : i32, i32
  }
  func.func @transform_6(%arg0: i32) -> (i32, i32) {
    %c0_i32 = arith.constant 0 : i32
    %c0_i32_0 = arith.constant 0 : i32
    %c0_i32_1 = arith.constant 0 : i32
    return %c0_i32, %c0_i32_0 : i32, i32
  }
  func.func @transform_7(%arg0: i32) -> (i32, i32) {
    %c0_i32 = arith.constant 0 : i32
    %c0_i32_0 = arith.constant 0 : i32
    %c0_i32_1 = arith.constant 0 : i32
    return %c0_i32, %c0_i32_0 : i32, i32
  }
  func.func @transform_8(%arg0: i32) -> (i32, i32) {
    %c0_i32 = arith.constant 0 : i32
    %c0_i32_0 = arith.constant 0 : i32
    %c0_i32_1 = arith.constant 0 : i32
    return %c0_i32, %c0_i32_0 : i32, i32
  }
  func.func @transform_9(%arg0: i32) -> (i32, i32) {
    %c0_i32 = arith.constant 0 : i32
    %c0_i32_0 = arith.constant 0 : i32
    return %arg0, %c0_i32 : i32, i32
  }
}

</mosaic_0001>

<sc_bundles>
// kernel: kernel.4.cloned.1.call-start
scs
__scs_entry_jumppad:
0x0: {  	(pc) =	sbr.rel $0x88, $3  }
0x1: {  	(tag) =	ssettag $0x0;
	lr =	simm.s32 $0x1  }
0x2: {  	[smem:$0x3F98] =	sst lr;
	_ =	strace $0xD0000000  }
0x3: {  	_ = 	snop  }
0x4: {  	_ = 	snop  }
0x5: {  	_ = 	snop  }
0x6: {  	_ = 	snop  }
0x7: {  	_ = 	snop  }
__scs_overlays_trampoline_lowered:
0x8: {  	[smem:$0x3FA7] =	sst s0  }
0x9: {  	[smem:$0x3FA8] =	sst s1  }
0xa: {  	[smem:$0x3FA9] =	sst s2  }
0xb: {  	[smem:$0x3FAA] =	sst s3  }
0xc: {  	[smem:$0x3FAB] =	sst s4  }
0xd: {  	[smem:$0x3FAC] =	sst s5  }
0xe: {  	[smem:$0x3FAD] =	sst s6  }
0xf: {  	[smem:$0x3FAE] =	sst s7  }
0x10: {  	[smem:$0x3FAF] =	sst s8  }
0x11: {  	[smem:$0x3FB0] =	sst s9;
	s0 =	simm.s32 @!p0 $0x0  }
0x12: {  	s1 =	sld [smem:$0x3F96];
	s0 =	simm.s32 @p0 $0x1  }
0x13: {  	[smem:$0x3FB1] =	sst s0;
	s0 =	simm.s32 @!p1 $0x0  }
0x14: {  	s2 =	sld [smem:$0x3F95];
	s0 =	simm.s32 @p1 $0x1  }
0x15: {  	[smem:$0x3FB2] =	sst s0;
	s0 =	simm.s32 @!p2 $0x0  }
0x16: {  	s3 =	sld [smem:$0x3FDB];
	s0 =	simm.s32 @p2 $0x1  }
0x17: {  	s4 =	simm.s32 $0x1BF5;
	[smem:$0x3FB4] =	sst s0  }
0x18: {  	s0 =	sld [smem:$0x3F97];
	_ =	swait.ge [sflag:s4], $0x0  }
0x19: {  	s7 =	sld [smem:$0x3F98]  }
0x1a: {  	s8 =	sadd.s32 $0xFFFFE003, lr  }
0x1b: {  	s9 =	sadd.s32 $0xFFFFFEF7, lr;
	s5 =	simm.s32 $0xFFFFFFFF;
	p2 =	slt.u32 s8, $0xFFFFF086  }
0x1c: {  	p1 =	slt.u32 s9, $0xF7A;
	s5 =	simm.s32 @!p2 $0x0  }
0x1d: {  	s5 =	simm.s32 @p1 $0x1;
	p0 =	seq.s32 s7, s2  }
0x1e: {  	s7 =	smul.u32 @!p0 $0xF7A, s2;
	p2 =	seq.s32 @!p0 s5, $0x0  }
0x1f: {  	s9 =	smul.u32 $0xF7A, s1;
	s8 =	simm.s32 @!p0 $0x1BF5;
	p2 =	por !p2, p0  }
0x20: {  	[sflag:s8] =	ssyncset.s32 @!p0 $0xFFFFF086;
	s6 =	sadd.s32 @!p0 s3, s7;
	s7 =	simm.s32 @!p0 $0x108  }
0x21: {  	s3 =	sadd.s32 s3, s9;
	s6 =	sadd.s32 @!p0 $0x88, s6;
	s7 =	simm.s32 @p2 $0x1082  }
0x22: {  	[simem:s7], [sflag:s8] =	dma.local @!p0 [hbm:s6], $0xF7A  }
0x23: {  	s9 =	sor.u32 $0xD0000000, s2;
	s6 =	simm.s32 $0x108;
	_ =	swait.ge @!p0 [sflag:s8], $0x0  }
0x24: {  	s3 =	sadd.s32 $0x88, s3;
	s6 =	simm.s32 @!p1 $0x1082;
	[sflag:s4] =	ssyncset.s32 $0xFFFFF086  }
0x25: {  	[simem:s6], [sflag:s4] =	dma.local [hbm:s3], $0xF7A  }
0x26: {  	[smem:$0x3F98] =	sst s1;
	(tag) =	ssettag s2;
	_ =	strace s9  }
0x27: {  	s1 =	sld [smem:$0x3FA8]  }
0x28: {  	s2 =	sld [smem:$0x3FA9]  }
0x29: {  	s4 =	sld [smem:$0x3FAB]  }
0x2a: {  	p0 =	seq.s32 s5, $0x0;
	s5 =	sld [smem:$0x3FAC]  }
0x2b: {  	s6 =	sld [smem:$0x3FAD]  }
0x2c: {  	s7 =	sld [smem:$0x3FAE]  }
0x2d: {  	s3 =	simm.s32 $0x108;
	s8 =	sld [smem:$0x3FAF]  }
0x2e: {  	s3 =	simm.s32 @!p0 $0x1082;
	s9 =	sld [smem:$0x3FB0]  }
0x2f: {  	lr =	sadd.s32 s0, s3;
	s0 =	sld [smem:$0x3FA7]  }
0x30: {  	s3 =	sld [smem:$0x3FAA]  }
0x31: {  	[smem:$0x3FB3] =	sst s10  }
0x32: {  	s10 =	sld [smem:$0x3FB1];
	_ =	sdelay $0x3  }
0x33: {  	p0 =	seq.s32 s10, $0x1;
	s10 =	sld [smem:$0x3FB3];
	_ =	sdelay $0x3  }
0x34: {  	[smem:$0x3FB3] =	sst s10  }
0x35: {  	s10 =	sld [smem:$0x3FB2];
	_ =	sdelay $0x3  }
0x36: {  	p1 =	seq.s32 s10, $0x1;
	s10 =	sld [smem:$0x3FB3];
	_ =	sdelay $0x3  }
0x37: {  	[smem:$0x3FB3] =	sst s10  }
0x38: {  	s10 =	sld [smem:$0x3FB4]  }
0x39: {  	_ = 	snop;
	(pc) =	sbr.ind lr, $3  }
0x3a: {  	_ = 	snop  }
0x3b: {  	_ = 	snop  }
0x3c: {  	p2 =	seq.s32 s10, $0x1;
	s10 =	sld [smem:$0x3FB3]  }
0x3d: {  	_ =	shalt  }
0x3e: {  	_ =	shalt  }
0x3f: {  	_ =	shalt  }
0x40: {  	_ =	shalt  }
0x41: {  	_ =	shalt  }
0x42: {  	_ =	shalt  }
0x43: {  	_ =	shalt  }
0x44: {  	_ =	shalt  }
0x45: {  	_ =	shalt  }
0x46: {  	_ =	shalt  }
0x47: {  	_ =	shalt  }
0x48: {  	_ =	shalt  }
0x49: {  	_ =	shalt  }
0x4a: {  	_ =	shalt  }
0x4b: {  	_ =	shalt  }
0x4c: {  	_ =	shalt  }
0x4d: {  	_ =	shalt  }
0x4e: {  	_ =	shalt  }
0x4f: {  	_ =	shalt  }
0x50: {  	_ =	shalt  }
0x51: {  	_ =	shalt  }
0x52: {  	_ =	shalt  }
0x53: {  	_ =	shalt  }
0x54: {  	_ =	shalt  }
0x55: {  	_ =	shalt  }
0x56: {  	_ =	shalt  }
0x57: {  	_ =	shalt  }
0x58: {  	_ =	shalt  }
0x59: {  	_ =	shalt  }
0x5a: {  	_ =	shalt  }
0x5b: {  	_ =	shalt  }
0x5c: {  	_ =	shalt  }
0x5d: {  	_ =	shalt  }
0x5e: {  	_ =	shalt  }
0x5f: {  	_ =	shalt  }
0x60: {  	_ =	shalt  }
0x61: {  	_ =	shalt  }
0x62: {  	_ =	shalt  }
0x63: {  	_ =	shalt  }
0x64: {  	_ =	shalt  }
0x65: {  	_ =	shalt  }
0x66: {  	_ =	shalt  }
0x67: {  	_ =	shalt  }
0x68: {  	_ =	shalt  }
0x69: {  	_ =	shalt  }
0x6a: {  	_ =	shalt  }
0x6b: {  	_ =	shalt  }
0x6c: {  	_ =	shalt  }
0x6d: {  	_ =	shalt  }
0x6e: {  	_ =	shalt  }
0x6f: {  	_ =	shalt  }
0x70: {  	_ =	shalt  }
0x71: {  	_ =	shalt  }
0x72: {  	_ =	shalt  }
0x73: {  	_ =	shalt  }
0x74: {  	_ =	shalt  }
0x75: {  	_ =	shalt  }
0x76: {  	_ =	shalt  }
0x77: {  	_ =	shalt  }
0x78: {  	_ =	shalt  }
0x79: {  	_ =	shalt  }
0x7a: {  	_ =	shalt  }
0x7b: {  	_ =	shalt  }
0x7c: {  	_ =	shalt  }
0x7d: {  	_ =	shalt  }
0x7e: {  	_ =	shalt  }
0x7f: {  	_ =	shalt  }
0x80: {  	_ =	shalt  }
0x81: {  	_ =	shalt  }
0x82: {  	_ =	shalt  }
0x83: {  	_ =	shalt  }
0x84: {  	_ =	shalt  }
0x85: {  	_ =	shalt  }
0x86: {  	_ =	shalt  }
0x87: {  	_ =	shalt  }
.Lfunc_end0:
.L_simem_size_0:
called_computation_lowered:
.L_overlay_start_0:
0x88: {  	s2 =	sld [smem:$0x3FD9]  }
0x89: {  	s3 =	sld [smem:$0x3FFE];
	_ =	sdelay $0x1  }
0x8a: {  	s1 =	srdreg.scid  }
0x8b: {  	s0 =	sand.u32 $0x1, s1  }
0x8c: {  	s18 =	sshll.u32 s0, $0xA;
	s2 =	sadd.s32 s3, s2  }
0x8d: {  	s2 =	sadd.s32 s2, s18  }
0x8e: {  	[smem:$0x3FBF] =	sst s2  }
0x8f: {  	_ = 	snop  }
0x90: {  	s2 =	sld [smem:$0x3FC9]  }
0x91: {  	s19 =	sld [smem:$0x3FC7]  }
0x92: {  	s4 =	sld [smem:$0x3FC6]  }
0x93: {  	s5 =	sld [smem:$0x3FD0];
	(tm) =	ssettm $0x1  }
0x94: {  	s6 =	sld [smem:$0x3FFB];
	_ =	sdelay $0x3  }
0x95: {  	_ =	strace s6  }
0x96: {  	s6 =	sld [smem:$0x3FFC];
	_ =	sdelay $0x3  }
0x97: {  	_ =	strace s6  }
0x98: {  	s6 =	sld [smem:$0x3FFD];
	_ =	sdelay $0x3  }
0x99: {  	_ =	strace s6  }
0x9a: {  	_ =	strace $0x8FFFFFFF  }
0x9b: {  	s20 =	sld [smem:$0x3FDB];
	_ =	sdelay $0x1  }
0x9c: {  	s7 =	simm.s32 $_scs_section_size  }
0x9d: {  	s8 =	simm.s32 $_size__tile_overlayer_lowered;
	s9 =	simm.s32 $_tile_overlayer_lowered  }
0x9e: {  	s23 =	simm.s32 $0x1BFF;
	s22 =	sshll.u32 s9, $0x1;
	s6 =	sadd.s32 s7, s20  }
0x9f: {  	s10 =	simm.s32 $0x0;
	s21 =	sshll.u32 s8, $0x1;
	s8 =	sadd.s32 s22, s6  }
0xa0: {  	[timem:s10], [sflag:s23] =	dma.local [hbm:s8], s21  }
0xa1: {  	_ =	swait.ge [sflag:s23], s21  }
0xa2: {  	s7 =	ssub.s32 $0x0, s21;
	[sflag:s23] =	ssyncset.done $0x0  }
0xa3: {  	[sflag:s23] =	ssyncadd.s32 s7;
	_ =	sdelay $0x1  }
0xa4: {  	s24 =	simm.s32 $0x1B8B  }
0xa5: {  	_ =	swait.ge [sflag:s24], $0x1  }
0xa6: {  	[sflag:s24] =	ssyncset.done $0x0  }
0xa7: {  	s25 =	simm.s32 $0x1B8E;
	[sflag:s24] =	ssyncadd.s32 $0xFFFFFFFF  }
0xa8: {  	s26 =	simm.s32 $execute0_lowered;
	[smem:$0x3FD2] =	sst s25  }
0xa9: {  	s7 =	sshll.u32 s26, $0x1;
	_ =	strace $0x80000046;
	[dreg:$0x1] =	wrdreg $0xFFFFFFFF  }
0xaa: {  	s28 =	simm.s32 $_size_execute0_lowered;
	s6 =	sadd.s32 s6, s7;
	[dreg:$0x0] =	wrdreg $0x0  }
0xab: {  	s7 =	sshll.u32 s28, $0x1;
	[dreg:$0x2] =	wrdreg s6  }
0xac: {  	[dreg:$0x3] =	wrdreg s7  }
0xad: {  	[dreg:$0x4] =	wrdreg $0xC0  }
0xae: {  	_ =	task [dreg:s10], $0x5FFFF  }
0xaf: {  	[dreg:$0x1] =	wrdreg $0xFFFFFFFF  }
0xb0: {  	[dreg:$0x0] =	wrdreg $0x60  }
0xb1: {  	[dreg:$0x2] =	wrdreg s2  }
0xb2: {  	[dreg:$0x3] =	wrdreg s19  }
0xb3: {  	[dreg:$0x4] =	wrdreg s4  }
0xb4: {  	[dreg:$0x5] =	wrdreg s5  }
0xb5: {  	[dreg:$0x6] =	wrdreg $0x9  }
0xb6: {  	_ =	task.clear_ibuf [dreg:s10], $0x7FFFF;
	_ =	strace $0x90000046  }
0xb7: {  	s29 =	simm.s32 $0x9;
	_ =	strace $0x80000048  }
0xb8: {  	_ =	swait.ge [sflag:s29], $0x1  }
0xb9: {  	[sflag:s29] =	ssyncadd.s32 $0xFFFFFFFF  }
0xba: {  	_ =	strace $0x90000048  }
0xbb: {  	_ =	sfence  }
0xbc: {  	s30 =	sld [smem:$0x0];
	_ =	sdelay $0x2  }
0xbd: {  	s31 =	sshll.u32 s1, $0xD;
	s1 =	sshrl.u32 s1, $0x2  }
0xbe: {  	s3 =	sand.u32 $0x4000, s31;
	s1 =	sadd.s32 s1, s30  }
0xbf: {  	s0 =	sor.u32 s3, s0;
	s1 =	sshll.u32 s1, $0x11  }
0xc0: {  	s0 =	sor.u32 s1, s0  }
0xc1: {  	s0 =	sadd.s32 $0x8F2B, s0  }
0xc2: {  	[sflag:s0] =	ssyncadd.remote.s32 $0x1  }
0xc3: {  	_ =	sfence.sel $0xFFFF  }
0xc4: {  	[dreg:$0x0] =	wrdreg $0xFFFFFFFF;
	(pc) =	sbr.abs _section_cstart, $3  }
0xc5: {  	[dreg:$0x1] =	wrdreg $0xFFFFFFFF  }
0xc6: {  	_ =	task.clear_ibuf [dreg:s10], $0x2FFFF;
	_ =	strace $0x9FFFFFFF  }
0xc7: {  	(tm) =	ssettm $0x7FFFFFFF  }
tec
execute0_lowered:
.L_overlay_start_1:
0x0: {  	(tag) =	ssettag $0x1  }
0x1: {  	s1 =	rddreg [dreg:$0x0]  }
0x2: {  	s4 =	rddreg [dreg:$0x1]  }
0x3: {  	s5 =	rddreg [dreg:$0x2]  }
0x4: {  	s6 =	rddreg [dreg:$0x3];
	s3 =	srdreg.scid  }
0x5: {  	s2 =	stileid.u32;
	s0 =	rddreg [dreg:$0x4];
	s10 =	simm.s32 $0x1  }
0x6: {  	s11 =	simm.s32 $0x2;
	s12 =	simm.s32 $0x3;
	s13 =	simm.s32 $0x7680  }
0x7: {  	s14 =	simm.s32 $0x4;
	s7 =	sand.u32 $0x1, s3;
	s8 =	sshll.u32 s2, $0x1  }
0x8: {  	s3 =	simm.s32 $0x0;
	s9 =	ssub.s32 $0x2, s7;
	s7 =	sor.u32 s7, s8  }
0x9: {  	[smem:$0x7FF] =	sst s3;
	s31 =	sshrl.u32 s9, $0x1;
	s7 =	smul.u32 $0x4E2, s7  }
0xa: {  	s15 =	simm.s32 $0x0;
	_ =	strace $0x80000047;
	s8 =	ssub.s32 s9, s31  }
0xb: {  	s9 =	simm.s32 $0x4F00;
	s4 =	sadd.s32 s4, s7;
	s5 =	sadd.s32 s5, s7  }
0xc: {  	s6 =	sadd.s32 s6, s7;
	s7 =	smax.u32 s8, $0x1;
	s8 =	simm.s32 $0x2780  }
.LBB2_1:
0xd: {  	[tilespmem:s3], [sflag:$0x1] =	stream.linear.gather [hbm4b:s1+s3], $0x2780, $0x38;
	[tilespmem:$0x9E00] =	vst v63  }
0xe: {  	_ = 	snop  }
0xf: {  	[tilespmem:s8], [sflag:$0x2] =	stream.linear.gather [hbm4b:s4+s3], $0x2710, $0x38;
	[tilespmem:$0x9E00] =	vst v63  }
0x10: {  	_ = 	snop  }
0x11: {  	[tilespmem:s9], [sflag:$0x3] =	stream.linear.gather [hbm4b:s5+s3], $0x2710, $0x38;
	[tilespmem:$0x9E00] =	vst v63  }
0x12: {  	_ =	swait.ge [sflag:s10], $0x2780  }
0x13: {  	[sflag:s10] =	ssyncset.done $0x0  }
0x14: {  	[sflag:s10] =	ssyncadd.s32 $0xFFFFD880  }
0x15: {  	_ =	swait.ge [sflag:s11], $0x2710  }
0x16: {  	[sflag:s11] =	ssyncset.done $0x0  }
0x17: {  	[sflag:s11] =	ssyncadd.s32 $0xFFFFD8F0  }
0x18: {  	_ =	swait.ge [sflag:s12], $0x2710  }
0x19: {  	[sflag:s12] =	ssyncset.done $0x0  }
0x1a: {  	s17 =	simm.s32 $0x4F40;
	[sflag:s12] =	ssyncadd.s32 $0xFFFFD8F0  }
0x1b: {  	v0 =	vld [tilespmem:s17+$0x30]  }
0x1c: {  	s16 =	simm.s32 $0x27C0;
	v1 =	vld [tilespmem:s17+$0xFFFFFFC0]  }
0x1d: {  	v2 =	vld [tilespmem:s16+$0x30]  }
0x1e: {  	v3 =	vld [tilespmem:s17+$0xFFFFFFD0]  }
0x1f: {  	v4 =	vld [tilespmem:s17+$0xFFFFFFE0]  }
0x20: {  	v5 =	vld [tilespmem:s17+$0xFFFFFFF0]  }
0x21: {  	v6 =	vld [tilespmem:s17+$0x0]  }
0x22: {  	v7 =	vld [tilespmem:s17+$0x10]  }
0x23: {  	v8 =	vld [tilespmem:s17+$0x20]  }
0x24: {  	v9 =	vld [tilespmem:s16+$0xFFFFFFD0]  }
0x25: {  	v10 =	vld [tilespmem:s16+$0xFFFFFFE0]  }
0x26: {  	v11 =	vld [tilespmem:s16+$0xFFFFFFF0]  }
0x27: {  	v12 =	vld [tilespmem:s16+$0x0]  }
0x28: {  	v13 =	vld [tilespmem:s16+$0x10]  }
0x29: {  	v14 =	vld [tilespmem:s16+$0x20]  }
0x2a: {  	v15 =	vld [tilespmem:s16+$0xFFFFFFC0]  }
0x2b: {  	v0 =	vld.idx.msk [tilespmem:v0+s3+$0x0], $0xffff  }
0x2c: {  	v2 =	vld.idx.msk [tilespmem:v2+s3+$0x0], $0xffff  }
0x2d: {  	v1 =	vld.idx.msk [tilespmem:v1+s3+$0x0], $0xffff  }
0x2e: {  	v3 =	vld.idx.msk [tilespmem:v3+s3+$0x0], $0xffff  }
0x2f: {  	v4 =	vld.idx.msk [tilespmem:v4+s3+$0x0], $0xffff  }
0x30: {  	v6 =	vld.idx.msk [tilespmem:v6+s3+$0x0], $0xffff  }
0x31: {  	v16 =	vld.idx.msk [tilespmem:v5+s3+$0x0], $0xffff  }
0x32: {  	v17 =	vld.idx.msk [tilespmem:v7+s3+$0x0], $0xffff  }
0x33: {  	v18 =	vld.idx.msk [tilespmem:v8+s3+$0x0], $0xffff  }
0x34: {  	v15 =	vld.idx.msk [tilespmem:v15+s3+$0x0], $0xffff;
	v0 =	vshll.u32 v0, $0x10  }
0x35: {  	v1 =	vshll.u32 v1, $0x10;
	v6 =	vshll.u32 v6, $0x10;
	v5 =	vadd.s32 $0x800000, v0;
	v0 =	vld.idx.msk [tilespmem:v9+s3+$0x0], $0xffff  }
0x36: {  	v19 =	vadd.s32 $0x800000, v1;
	v1 =	vld.idx.msk [tilespmem:v10+s3+$0x0], $0xffff;
	v8 =	vadd.s32 $0x800000, v6  }
0x37: {  	v10 =	vshll.u32 v17, $0x10;
	v6 =	vld.idx.msk [tilespmem:v13+s3+$0x0], $0xffff;
	v9 =	vor.u32 v2, v5;
	v2 =	vshll.u32 v3, $0x10  }
0x38: {  	v3 =	vshll.u32 v4, $0x10;
	v4 =	vshll.u32 v16, $0x10;
	v5 =	vadd.s32 $0x800000, v2;
	v2 =	vld.idx.msk [tilespmem:v11+s3+$0x0], $0xffff  }
0x39: {  	s17 =	simm.s32 $0x76C0;
	v7 =	vadd.s32 $0x800000, v3;
	v4 =	vadd.s32 $0x800000, v4;
	v3 =	vld.idx.msk [tilespmem:v12+s3+$0x0], $0xffff;
	v11 =	vshll.u32 v18, $0x10  }
0x3a: {  	s18 =	simm.s32 $0x0;
	s19 =	simm.s32 $0x4FC0;
	[tilespmem:s17+$0x30] =	vst v9;
	v9 =	vadd.s32 $0x800000, v10;
	v12 =	vor.u32 v15, v19;
	v10 =	vld.idx.msk [tilespmem:v14+s3+$0x0], $0xffff;
	v11 =	vadd.s32 $0x800000, v11  }
.LBB2_2:
0x3b: {  	v13 =	vld [tilespmem:s19+$0x30];
	s18 =	sadd.s32 $0x8, s18;
	[tilespmem:s17+$0xFFFFFFC0] =	vst v12;
	v0 =	vor.u32 v0, v5  }
0x3c: {  	s16 =	sadd.s32 $0x80, s16;
	v5 =	vld [tilespmem:s19+$0xFFFFFFC0];
	p0 =	slt.u32 s18, $0x268;
	[tilespmem:s17+$0xFFFFFFD0] =	vst v0;
	v0 =	vor.u32 v1, v7  }
0x3d: {  	v1 =	vld [tilespmem:s16+$0x30];
	[tilespmem:s17+$0xFFFFFFE0] =	vst v0;
	v0 =	vor.u32 v2, v4  }
0x3e: {  	v2 =	vld [tilespmem:s19+$0xFFFFFFD0];
	[tilespmem:s17+$0xFFFFFFF0] =	vst v0;
	v0 =	vor.u32 v3, v8  }
0x3f: {  	v3 =	vld [tilespmem:s19+$0xFFFFFFE0];
	[tilespmem:s17+$0x0] =	vst v0;
	v0 =	vor.u32 v6, v9  }
0x40: {  	v4 =	vld [tilespmem:s19+$0xFFFFFFF0];
	[tilespmem:s17+$0x10] =	vst v0;
	v0 =	vor.u32 v10, v11  }
0x41: {  	v6 =	vld [tilespmem:s19+$0x0];
	[tilespmem:s17+$0x20] =	vst v0  }
0x42: {  	v0 =	vld [tilespmem:s19+$0x10]  }
0x43: {  	v7 =	vld.idx.msk [tilespmem:v13+s3+$0x0], $0xffff  }
0x44: {  	v8 =	vld [tilespmem:s19+$0x20]  }
0x45: {  	v1 =	vld.idx.msk [tilespmem:v1+s3+$0x0], $0xffff  }
0x46: {  	v9 =	vld [tilespmem:s16+$0xFFFFFFD0]  }
0x47: {  	v10 =	vld [tilespmem:s16+$0xFFFFFFE0]  }
0x48: {  	v11 =	vld [tilespmem:s16+$0xFFFFFFF0]  }
0x49: {  	v7 =	vshll.u32 v7, $0x10;
	v12 =	vld [tilespmem:s16+$0x0]  }
0x4a: {  	v7 =	vadd.s32 $0x800000, v7;
	v13 =	vld [tilespmem:s16+$0x10]  }
0x4b: {  	s17 =	sadd.s32 $0x80, s17;
	v1 =	vor.u32 v1, v7;
	v14 =	vld [tilespmem:s16+$0x20]  }
0x4c: {  	v7 =	vld [tilespmem:s16+$0xFFFFFFC0];
	[tilespmem:s17+$0x30] =	vst v1  }
0x4d: {  	v1 =	vld.idx.msk [tilespmem:v5+s3+$0x0], $0xffff  }
0x4e: {  	v2 =	vld.idx.msk [tilespmem:v2+s3+$0x0], $0xffff  }
0x4f: {  	v3 =	vld.idx.msk [tilespmem:v3+s3+$0x0], $0xffff  }
0x50: {  	v4 =	vld.idx.msk [tilespmem:v4+s3+$0x0], $0xffff  }
0x51: {  	v6 =	vld.idx.msk [tilespmem:v6+s3+$0x0], $0xffff  }
0x52: {  	v15 =	vld.idx.msk [tilespmem:v0+s3+$0x0], $0xffff  }
0x53: {  	v0 =	vshll.u32 v1, $0x10;
	v16 =	vld.idx.msk [tilespmem:v8+s3+$0x0], $0xffff  }
0x54: {  	v18 =	vadd.s32 $0x800000, v0;
	v1 =	vshll.u32 v2, $0x10;
	v17 =	vld.idx.msk [tilespmem:v7+s3+$0x0], $0xffff  }
0x55: {  	v5 =	vadd.s32 $0x800000, v1;
	v2 =	vshll.u32 v3, $0x10;
	v0 =	vld.idx.msk [tilespmem:v9+s3+$0x0], $0xffff  }
.Ltmp0:
0x56: {  	v7 =	vadd.s32 $0x800000, v2;
	v3 =	vshll.u32 v4, $0x10;
	v1 =	vld.idx.msk [tilespmem:v10+s3+$0x0], $0xffff;
	(pc) =	sbr.rel @p0 .LBB2_2-.Ltmp0, $4  }
0x57: {  	v4 =	vadd.s32 $0x800000, v3;
	v6 =	vshll.u32 v6, $0x10;
	v2 =	vld.idx.msk [tilespmem:v11+s3+$0x0], $0xffff  }
0x58: {  	v8 =	vadd.s32 $0x800000, v6;
	v9 =	vshll.u32 v15, $0x10;
	v3 =	vld.idx.msk [tilespmem:v12+s3+$0x0], $0xffff  }
0x59: {  	v9 =	vadd.s32 $0x800000, v9;
	v11 =	vshll.u32 v16, $0x10;
	v6 =	vld.idx.msk [tilespmem:v13+s3+$0x0], $0xffff  }
0x5a: {  	s19 =	sadd.s32 $0x80, s19;
	v12 =	vor.u32 v17, v18;
	v11 =	vadd.s32 $0x800000, v11;
	v10 =	vld.idx.msk [tilespmem:v14+s3+$0x0], $0xffff  }
0x5b: {  	[tilespmem:s17+$0xFFFFFFC0] =	vst v12;
	v0 =	vor.u32 v0, v5  }
0x5c: {  	v58 =	vor.u32 v1, v7;
	[tilespmem:s17+$0xFFFFFFD0] =	vst v0  }
0x5d: {  	[tilespmem:s17+$0xFFFFFFE0] =	vst v58;
	v59 =	vor.u32 v2, v4  }
0x5e: {  	[tilespmem:s17+$0xFFFFFFF0] =	vst v59;
	v60 =	vor.u32 v3, v8  }
0x5f: {  	[tilespmem:s17+$0x0] =	vst v60;
	v61 =	vor.u32 v6, v9  }
0x60: {  	[tilespmem:s17+$0x10] =	vst v61;
	v62 =	vor.u32 v10, v11  }
0x61: {  	[tilespmem:s17+$0x20] =	vst v62  }
0x62: {  	v0 =	vld [tilespmem:$0x7600];
	_ =	sdelay $0x1  }
0x63: {  	v63 =	vld [tilespmem:$0x4E80];
	_ =	sdelay $0x5  }
0x64: {  	v0 =	vld.idx.msk [tilespmem:v0+s3+$0x0], $0xffff;
	_ =	sdelay $0x1  }
0x65: {  	v1 =	vld.idx.msk [tilespmem:v63+s3+$0x0], $0xffff;
	_ =	sdelay $0x2  }
0x66: {  	v0 =	vshll.u32 v0, $0x10  }
0x67: {  	s15 =	sadd.s32 $0x1, s15;
	v0 =	vadd.s32 $0x800000, v0  }
0x68: {  	p0 =	sne.s32 s15, s7;
	v0 =	vor.u32 v1, v0  }
.Ltmp1:
0x69: {  	[tilespmem:$0x9D80] =	vst v0;
	(pc) =	sbr.rel @p0 .LBB2_1-.Ltmp1, $4  }
0x6a: {  	[hbm4b:s6+s3] =	stream.linear.scatter [tilespmem:s13], [sflag:$0x4], $0x2710, $0x38;
	[tilespmem:$0x9E00] =	vst v63  }
0x6b: {  	_ =	swait.ge [sflag:s14], $0x2710  }
0x6c: {  	[sflag:s14] =	ssyncset.done $0x0  }
0x6d: {  	[sflag:s14] =	ssyncadd.s32 $0xFFFFD8F0  }
0x6e: {  	_ =	sfence.sel $0x180000  }
0x6f: {  	[bflag:$0x0] =	sbarrier.arrive $0xFFFF  }
0x70: {  	p0 =	sne.s32 s2, $0x0;
	_ =	strace $0x90000047  }
0x71: {  	s0 =	sadd.s32 @!p0 $0x100000, s0;
	[bflag:$0x2] =	sbarrier.arrive $0xFFFF  }
0x72: {  	[sflag:s0] =	ssyncadd.tile.s32 @!p0 $0x1;
	_ =	shalt  }
.Lfunc_end2:
_tile_overlayer_lowered:
.L_overlay_start_2:
0x73: {  	(tag) =	ssettag $0x2  }
0x74: {  	s0 =	rddreg [dreg:$0x0];
	s2 =	stileid.u32  }
0x75: {  	s1 =	rddreg [dreg:$0x1];
	p0 =	sne.s32 s2, $0x0  }
0x76: {  	s3 =	rddreg [dreg:$0x2];
	[bflag:$0x3] =	sbarrier.arrive $0xFFFF;
	s2 =	simm.s32 @!p0 $0x1C04  }
0x77: {  	[timem:s3], [sflag:s2] =	dma.local @!p0 [hbm:s0], s1  }
0x78: {  	s0 =	simm.s32 @!p0 $0x4  }
0x79: {  	_ =	swait.ge @!p0 [sflag:s0], s1  }
0x7a: {  	s1 =	ssub.s32 @!p0 $0x0, s1;
	[sflag:s0] =	ssyncset.done @!p0 $0x0  }
0x7b: {  	[sflag:s0] =	ssyncadd.s32 @!p0 s1  }
0x7c: {  	[bflag:$0x3] =	sbarrier.arrive $0xFFFF  }
0x7d: {  	_ =	shalt  }

</sc_bundles>
